<compile_context>
chip_gen: v7x
topology: tpu7x:2x2x1
jax: 0.10.2.dev20260603
libtpu: 0.0.44.dev20260713+nightly
codegen_flags: <defaults>
</compile_context>

<pallas_src>
import functools

import jax
import jax.numpy as jnp
from jax import lax
from jax.experimental import pallas as pl
from jax.experimental.pallas import tpu as pltpu
from jax.experimental.pallas import tpu_sc as plsc

N_NODES = 10000
N_EDGES = 320000
D_IN = 128
D_OUT = 128
D_EDGE = 16

NC = 2
NS = 16
NW = NC * NS
CHUNK = 88
C_HI = 165
C_LO = 69
N_SCAT = NS * (C_HI + C_LO)
E_ALLOC = (N_SCAT + 8) * CHUNK
N_PAD = 10112
ROWS_PER_S = N_PAD // NS


def _sc_aggregate(x, src1, dst1, r, z128):
    mesh = plsc.VectorSubcoreMesh(core_axis_name="c", subcore_axis_name="s")

    @functools.partial(
        pl.kernel,
        out_type=jax.ShapeDtypeStruct((NC, N_PAD, D_OUT), jnp.float32),
        mesh=mesh,
        scratch_types=(
            [pltpu.VMEM((CHUNK,), jnp.int32) for _ in range(4)]
            + [pltpu.VMEM((CHUNK,), jnp.int32) for _ in range(4)]
            + [pltpu.VMEM((CHUNK, D_OUT), jnp.float32) for _ in range(2)]
            + [pltpu.VMEM((CHUNK, D_OUT), jnp.float32) for _ in range(2)]
            + [pltpu.VMEM_SHARED((N_PAD, D_OUT), jnp.float32)]
            + [pltpu.SemaphoreType.DMA for _ in range(8)]
        ),
    )
    def k(x_hbm, src_hbm, dst_hbm, r_hbm, z128_hbm, acc_out,
          si0, si1, si2, si3, di0, di1, di2, di3,
          rows_a, rows_b, r_a, r_b, acc_sh,
          i0, i1, i2, i3, g0, g1, s0, s1):
        c = lax.axis_index("c")
        s = lax.axis_index("s")
        base_chunk = jnp.where(c == 1, s * C_HI, NS * C_HI + s * C_LO)
        n_quads = jnp.where(c == 1, (C_HI - 1) // 4, (C_LO - 1) // 4)
        src_v = (si0, si1, si2, si3)
        dst_v = (di0, di1, di2, di3)
        rows_v = (rows_a, rows_b)
        r_v = (r_a, r_b)
        isem = (i0, i1, i2, i3)
        gsem = (g0, g1)
        ssem = (s0, s1)

        pltpu.sync_copy(z128_hbm, acc_sh.at[pl.ds(s * ROWS_PER_S, ROWS_PER_S)])
        plsc.subcore_barrier()

        def cbase(j):
            return (base_chunk + j) * CHUNK

        def issue_idx(j, q):
            pltpu.async_copy(src_hbm.at[pl.ds(cbase(j), CHUNK)], src_v[q],
                             isem[q])
            pltpu.async_copy(dst_hbm.at[pl.ds(cbase(j), CHUNK)], dst_v[q],
                             isem[q])

        def wait_idx(q):
            pltpu.make_async_copy(src_hbm.at[pl.ds(0, CHUNK)], src_v[q],
                                  isem[q]).wait()
            pltpu.make_async_copy(src_hbm.at[pl.ds(0, CHUNK)], dst_v[q],
                                  isem[q]).wait()

        def issue_gather(j, db, q):
            pltpu.async_copy(x_hbm.at[src_v[q]], rows_v[db], gsem[db])
            pltpu.async_copy(r_hbm.at[pl.ds(cbase(j), CHUNK)], r_v[db],
                             gsem[db])

        def wait_gather(db):
            pltpu.make_async_copy(r_hbm.at[pl.ds(0, CHUNK)], rows_v[db],
                                  gsem[db]).wait()
            pltpu.make_async_copy(r_hbm.at[pl.ds(0, CHUNK)], r_v[db],
                                  gsem[db]).wait()

        def issue_scatter(db, q):
            pltpu.async_copy(rows_v[db], acc_sh.at[dst_v[q]], ssem[db],
                             add=True)
            pltpu.async_copy(r_v[db], acc_sh.at[dst_v[q]], ssem[db],
                             add=True)

        def wait_scatter(db):
            pltpu.make_async_copy(r_hbm.at[pl.ds(0, CHUNK)], rows_v[db],
                                  ssem[db]).wait()
            pltpu.make_async_copy(r_hbm.at[pl.ds(0, CHUNK)], r_v[db],
                                  ssem[db]).wait()

        def step(j, off, do_idx):
            b = off % 2
            wait_idx((off + 1) % 4)
            wait_scatter(1 - b)
            issue_gather(j + 1, 1 - b, (off + 1) % 4)
            wait_gather(b)
            issue_scatter(b, off % 4)
            if do_idx:
                issue_idx(j + 3, (off + 3) % 4)

        issue_idx(0, 0)
        wait_idx(0)
        issue_gather(0, 0, 0)
        issue_idx(1, 1)
        issue_idx(2, 2)
        wait_idx(1)
        issue_gather(1, 1, 1)
        wait_gather(0)
        issue_scatter(0, 0)
        issue_idx(3, 3)

        def quad(k_, carry):
            j0 = 1 + 4 * k_
            for t in range(4):
                step(j0 + t, (1 + t) % 4, True)
            return carry

        lax.fori_loop(0, n_quads, quad, 0)

        wait_scatter(0)
        wait_gather(1)
        wait_idx(2)
        wait_idx(3)
        plsc.subcore_barrier()

        pltpu.sync_copy(acc_sh.at[pl.ds(s * ROWS_PER_S, ROWS_PER_S)],
                        acc_out.at[c, pl.ds(s * ROWS_PER_S, ROWS_PER_S)])

    return k(x, src1, dst1, r, z128)


def _pre_x_body(feats_ref, wr_ref, br_ref, x_ref):
    x_ref[...] = jnp.dot(feats_ref[...], wr_ref[...],
                         preferred_element_type=jnp.float32) + br_ref[...]


def _pre_r_body(ea_ref, we_ref, be_ref, r_ref):
    r_ref[...] = jnp.dot(ea_ref[...], we_ref[...],
                         preferred_element_type=jnp.float32) + be_ref[...]


def _post_body(acc_ref, feats_ref, wres_ref, bres_ref, gamma_ref, beta_ref,
               out_ref):
    agg = (acc_ref[0] + acc_ref[1])[:N_NODES]
    res = jnp.dot(feats_ref[...], wres_ref[...],
                  preferred_element_type=jnp.float32) + bres_ref[...]
    y = jnp.maximum(agg, 0.0) + jnp.maximum(res, 0.0)
    mean = jnp.mean(y, axis=0, keepdims=True)
    var = jnp.mean((y - mean) ** 2, axis=0, keepdims=True)
    out_ref[...] = ((y - mean) * lax.rsqrt(var + 1e-5) * gamma_ref[...]
                    + beta_ref[...])


R_BLK = E_ALLOC // 56


def kernel(feats, edge_index, edge_attr, W_rel, b_rel, W_edge, b_edge,
           W_res, b_res, gamma, beta):
    ei = edge_index.astype(jnp.int32)
    npad = E_ALLOC - N_EDGES
    src1 = jnp.concatenate([ei[0], jnp.zeros((npad,), jnp.int32)])
    sink = N_NODES + (jnp.arange(npad, dtype=jnp.int32) % (N_PAD - N_NODES))
    dst1 = jnp.concatenate([ei[1], sink])
    ea_p = jnp.pad(edge_attr, ((0, npad), (0, 0)))
    z128 = jnp.zeros((ROWS_PER_S, D_OUT), jnp.float32)

    x = pl.pallas_call(
        _pre_x_body,
        out_shape=jax.ShapeDtypeStruct((N_NODES, D_OUT), jnp.float32),
    )(feats, W_rel, b_rel.reshape(1, D_OUT))

    r = pl.pallas_call(
        _pre_r_body,
        grid=(E_ALLOC // R_BLK,),
        in_specs=[
            pl.BlockSpec((R_BLK, D_EDGE), lambda i: (i, 0)),
            pl.BlockSpec((D_EDGE, D_OUT), lambda i: (0, 0)),
            pl.BlockSpec((1, D_OUT), lambda i: (0, 0)),
        ],
        out_specs=pl.BlockSpec((R_BLK, D_OUT), lambda i: (i, 0)),
        out_shape=jax.ShapeDtypeStruct((E_ALLOC, D_OUT), jnp.float32),
    )(ea_p, W_edge, b_edge.reshape(1, D_OUT))

    acc = _sc_aggregate(x, src1, dst1, r, z128)

    out = pl.pallas_call(
        _post_body,
        out_shape=jax.ShapeDtypeStruct((N_NODES, D_OUT), jnp.float32),
    )(acc, feats, W_res, b_res.reshape(1, D_OUT),
      gamma.reshape(1, D_OUT), beta.reshape(1, D_OUT))
    return out

# --- scband reference (transcript-rebuilt; emitter-appended) ---
"""Pipeline reference for scband-pyg-gcnlayer-with-edge-9294309228638 (READ-ONLY COPY).

The authoritative reference and input builder live on the scoring server;
editing this copy changes nothing except your own understanding.
"""

import jax, jax.numpy as jnp
import numpy as np

N_NODES = 10000
N_EDGES = 320000
D_IN = 128
D_OUT = 128
D_EDGE = 16


def setup_inputs(seed: int = 0) -> dict:
    key = jax.random.key(seed)
    ks = jax.random.split(key, 12)
    feats = jax.random.normal(ks[0], (N_NODES, D_IN), dtype=jnp.float32)
    edge_index = jax.random.randint(ks[1], (2, N_EDGES), 0, N_NODES, dtype=jnp.int64)
    edge_attr = jax.random.normal(ks[2], (N_EDGES, D_EDGE), dtype=jnp.float32)
    s = 1.0 / np.sqrt(D_IN)
    W_rel = jax.random.uniform(ks[3], (D_IN, D_OUT), dtype=jnp.float32, minval=-s, maxval=s)
    b_rel = jax.random.uniform(ks[4], (D_OUT,), dtype=jnp.float32, minval=-s, maxval=s)
    se = 1.0 / np.sqrt(D_EDGE)
    W_edge = jax.random.uniform(ks[5], (D_EDGE, D_OUT), dtype=jnp.float32, minval=-se, maxval=se)
    b_edge = jax.random.uniform(ks[6], (D_OUT,), dtype=jnp.float32, minval=-se, maxval=se)
    W_res = jax.random.uniform(ks[7], (D_IN, D_OUT), dtype=jnp.float32, minval=-s, maxval=s)
    b_res = jax.random.uniform(ks[8], (D_OUT,), dtype=jnp.float32, minval=-s, maxval=s)
    gamma = jnp.ones((D_OUT,), dtype=jnp.float32)
    beta = jnp.zeros((D_OUT,), dtype=jnp.float32)
    return {"feats": feats, "edge_index": edge_index, "edge_attr": edge_attr,
            "W_rel": W_rel, "b_rel": b_rel, "W_edge": W_edge, "b_edge": b_edge,
            "W_res": W_res, "b_res": b_res, "gamma": gamma, "beta": beta}


def reference(feats, edge_index, edge_attr, W_rel, b_rel, W_edge, b_edge, W_res, b_res, gamma, beta):
    # pyg_GraphConv_with_edge: x = lin_rel(x); message = x_j + edge_lin(edge_attr); aggr='add' at dst
    x = feats @ W_rel + b_rel
    src = edge_index[0]
    dst = edge_index[1]
    msgs = jnp.take(x, src, axis=0) + (edge_attr @ W_edge + b_edge)
    agg = jax.ops.segment_sum(msgs, dst, num_segments=N_NODES)
    # GCN layer: activation, dropout(0.0)=identity, residual, batchnorm (training mode)
    new_feats = jax.nn.relu(agg)
    res_feats = jax.nn.relu(feats @ W_res + b_res)
    new_feats = new_feats + res_feats
    mean = jnp.mean(new_feats, axis=0)
    var = jnp.var(new_feats, axis=0)  # biased variance, as used for normalization in BatchNorm1d
    new_feats = (new_feats - mean) / jnp.sqrt(var + 1e-5) * gamma + beta
    return new_feats

if __name__ == "__main__":
    import jax
    _d = setup_inputs()
    print(jax.jit(kernel)(*tuple(_d.values())))

</pallas_src>

<mosaic_0001>
#map = affine_map<(d0, d1) -> (0, 0)>
#map1 = affine_map<(d0, d1) -> (0)>
#map2 = affine_map<(d0, d1) -> (0, 0, 0)>
module attributes {stable_mosaic.version = 14 : i64} {
  func.func @k(%arg0: i32, %arg1: i32, %arg2: memref<10000x128xf32, #tpu.memory_space<hbm>>, %arg3: memref<330176xi32, #tpu.memory_space<hbm>>, %arg4: memref<330176xi32, #tpu.memory_space<hbm>>, %arg5: memref<330176x128xf32, #tpu.memory_space<hbm>>, %arg6: memref<632x128xf32, #tpu.memory_space<hbm>>, %arg7: memref<2x10112x128xf32, #tpu.memory_space<hbm>>, %arg8: memref<88xi32, #tpu.memory_space<vmem>>, %arg9: memref<88xi32, #tpu.memory_space<vmem>>, %arg10: memref<88xi32, #tpu.memory_space<vmem>>, %arg11: memref<88xi32, #tpu.memory_space<vmem>>, %arg12: memref<88xi32, #tpu.memory_space<vmem>>, %arg13: memref<88xi32, #tpu.memory_space<vmem>>, %arg14: memref<88xi32, #tpu.memory_space<vmem>>, %arg15: memref<88xi32, #tpu.memory_space<vmem>>, %arg16: memref<88x128xf32, #tpu.memory_space<vmem>>, %arg17: memref<88x128xf32, #tpu.memory_space<vmem>>, %arg18: memref<88x128xf32, #tpu.memory_space<vmem>>, %arg19: memref<88x128xf32, #tpu.memory_space<vmem>>, %arg20: memref<10112x128xf32, #tpu.memory_space<vmem_shared>>, %arg21: memref<!tpu.dma_semaphore, #tpu.memory_space<semaphore_mem>>, %arg22: memref<!tpu.dma_semaphore, #tpu.memory_space<semaphore_mem>>, %arg23: memref<!tpu.dma_semaphore, #tpu.memory_space<semaphore_mem>>, %arg24: memref<!tpu.dma_semaphore, #tpu.memory_space<semaphore_mem>>, %arg25: memref<!tpu.dma_semaphore, #tpu.memory_space<semaphore_mem>>, %arg26: memref<!tpu.dma_semaphore, #tpu.memory_space<semaphore_mem>>, %arg27: memref<!tpu.dma_semaphore, #tpu.memory_space<semaphore_mem>>, %arg28: memref<!tpu.dma_semaphore, #tpu.memory_space<semaphore_mem>>) attributes {dimension_semantics = [#tpu.dimension_semantics<core_parallel>, #tpu.dimension_semantics<subcore_parallel>], iteration_bounds = array<i64: 2, 16>, scalar_prefetch = 0 : i64, scratch_operands = 21 : i64, tpu.core_type = #tpu.core_type<sc_vector_subcore>, window_params = [{transform_indices = #map}, {transform_indices = #map1}, {transform_indices = #map1}, {transform_indices = #map}, {transform_indices = #map}, {transform_indices = #map2}]} {
    %eq3A = arith.constant 1 : i32
    %eq3A_0 = arith.cmpi eq, %arg0, %eq3A : i32
    %mul3A = arith.constant 165 : i32
    %mul3A_1 = arith.muli %arg1, %mul3A : i32
    %mul3A_2 = arith.constant 69 : i32
    %mul3A_3 = arith.muli %arg1, %mul3A_2 : i32
    %add3A = arith.constant 2640 : i32
    %add3A_4 = arith.addi %add3A, %mul3A_3 : i32
    %select_n3A = arith.select %eq3A_0, %mul3A_1, %add3A_4 : i32
    %eq3A_5 = arith.constant 1 : i32
    %eq3A_6 = arith.cmpi eq, %arg0, %eq3A_5 : i32
    %jit3A = arith.constant 41 : i32
    %jit3A_7 = arith.constant 17 : i32
    %select_n3A_8 = arith.select %eq3A_6, %jit3A, %jit3A_7 : i32
    %mul3A_9 = arith.constant 632 : i32
    %mul3A_10 = arith.muli %arg1, %mul3A_9 : i32
    "tpu.region"() ({
      %run_scoped3A = tpu.sem_alloc : memref<!tpu.dma_semaphore, #tpu.memory_space<semaphore_mem>>
      %dma_start3A_167 = arith.constant 0 : i32
      %dma_start3A_168 = tpu.memref_slice %arg20[%mul3A_10, %dma_start3A_167] : memref<10112x128xf32, #tpu.memory_space<vmem_shared>> -> memref<632x128xf32, #tpu.memory_space<vmem_shared>>
      tpu.enqueue_dma source(%arg6 : memref<632x128xf32, #tpu.memory_space<hbm>>) target(%dma_start3A_168 : memref<632x128xf32, #tpu.memory_space<vmem_shared>>) target_semaphore(%run_scoped3A : memref<!tpu.dma_semaphore, #tpu.memory_space<semaphore_mem>>)
      %dma_wait3A_169 = arith.constant 0 : i32
      %dma_wait3A_170 = tpu.memref_slice %arg20[%mul3A_10, %dma_wait3A_169] : memref<10112x128xf32, #tpu.memory_space<vmem_shared>> -> memref<632x128xf32, #tpu.memory_space<vmem_shared>>
      tpu.wait_dma2 semaphore(%run_scoped3A : memref<!tpu.dma_semaphore, #tpu.memory_space<semaphore_mem>>) src(%arg6 : memref<632x128xf32, #tpu.memory_space<hbm>>) dst(%dma_wait3A_170 : memref<632x128xf32, #tpu.memory_space<vmem_shared>>)
      tpu.yield
    }) : () -> ()
    %barrier3A = arith.constant 0 : index
    tpu.barrier barrier_id(%barrier3A)
    %add3A_11 = arith.constant 0 : i32
    %add3A_12 = arith.addi %select_n3A, %add3A_11 : i32
    %mul3A_13 = arith.constant 88 : i32
    %mul3A_14 = arith.muli %add3A_12, %mul3A_13 : i32
    %dma_start3A = tpu.memref_slice %arg3[%mul3A_14] : memref<330176xi32, #tpu.memory_space<hbm>> -> memref<88xi32, #tpu.memory_space<hbm>>
    %dma_start3A_15 = tpu.memref_slice %arg3[%mul3A_14] : memref<330176xi32, #tpu.memory_space<hbm>> -> memref<88xi32, #tpu.memory_space<hbm>>
    tpu.enqueue_dma source(%dma_start3A_15 : memref<88xi32, #tpu.memory_space<hbm>>) target(%arg8 : memref<88xi32, #tpu.memory_space<vmem>>) target_semaphore(%arg21 : memref<!tpu.dma_semaphore, #tpu.memory_space<semaphore_mem>>)
    %add3A_16 = arith.constant 0 : i32
    %add3A_17 = arith.addi %select_n3A, %add3A_16 : i32
    %mul3A_18 = arith.constant 88 : i32
    %mul3A_19 = arith.muli %add3A_17, %mul3A_18 : i32
    %dma_start3A_20 = tpu.memref_slice %arg4[%mul3A_19] : memref<330176xi32, #tpu.memory_space<hbm>> -> memref<88xi32, #tpu.memory_space<hbm>>
    %dma_start3A_21 = tpu.memref_slice %arg4[%mul3A_19] : memref<330176xi32, #tpu.memory_space<hbm>> -> memref<88xi32, #tpu.memory_space<hbm>>
    tpu.enqueue_dma source(%dma_start3A_21 : memref<88xi32, #tpu.memory_space<hbm>>) target(%arg12 : memref<88xi32, #tpu.memory_space<vmem>>) target_semaphore(%arg21 : memref<!tpu.dma_semaphore, #tpu.memory_space<semaphore_mem>>)
    %dma_wait3A = arith.constant 0 : i32
    %dma_wait3A_22 = tpu.memref_slice %arg3[%dma_wait3A] : memref<330176xi32, #tpu.memory_space<hbm>> -> memref<88xi32, #tpu.memory_space<hbm>>
    %dma_wait3A_23 = arith.constant 0 : i32
    %dma_wait3A_24 = tpu.memref_slice %arg3[%dma_wait3A_23] : memref<330176xi32, #tpu.memory_space<hbm>> -> memref<88xi32, #tpu.memory_space<hbm>>
    tpu.wait_dma2 semaphore(%arg21 : memref<!tpu.dma_semaphore, #tpu.memory_space<semaphore_mem>>) src(%dma_wait3A_24 : memref<88xi32, #tpu.memory_space<hbm>>) dst(%arg8 : memref<88xi32, #tpu.memory_space<vmem>>)
    %dma_wait3A_25 = arith.constant 0 : i32
    %dma_wait3A_26 = tpu.memref_slice %arg3[%dma_wait3A_25] : memref<330176xi32, #tpu.memory_space<hbm>> -> memref<88xi32, #tpu.memory_space<hbm>>
    %dma_wait3A_27 = arith.constant 0 : i32
    %dma_wait3A_28 = tpu.memref_slice %arg3[%dma_wait3A_27] : memref<330176xi32, #tpu.memory_space<hbm>> -> memref<88xi32, #tpu.memory_space<hbm>>
    tpu.wait_dma2 semaphore(%arg21 : memref<!tpu.dma_semaphore, #tpu.memory_space<semaphore_mem>>) src(%dma_wait3A_28 : memref<88xi32, #tpu.memory_space<hbm>>) dst(%arg12 : memref<88xi32, #tpu.memory_space<vmem>>)
    %dma_start3A_29 = arith.constant 0 : i32
    %dma_start3A_30 = arith.constant 0 : i32
    %dma_start3A_31 = tpu.memref_slice %arg2[%dma_start3A_29, %dma_start3A_30] : memref<10000x128xf32, #tpu.memory_space<hbm>> -> memref<10000x128xf32, #tpu.memory_space<hbm>>
    tpu.enqueue_indirect_dma source(%dma_start3A_31 : memref<10000x128xf32, #tpu.memory_space<hbm>>) target(%arg16 : memref<88x128xf32, #tpu.memory_space<vmem>>) offsets(%arg8 : memref<88xi32, #tpu.memory_space<vmem>>) semaphore(%arg25 : memref<!tpu.dma_semaphore, #tpu.memory_space<semaphore_mem>>)
    %add3A_32 = arith.constant 0 : i32
    %add3A_33 = arith.addi %select_n3A, %add3A_32 : i32
    %mul3A_34 = arith.constant 88 : i32
    %mul3A_35 = arith.muli %add3A_33, %mul3A_34 : i32
    %dma_start3A_36 = arith.constant 0 : i32
    %dma_start3A_37 = tpu.memref_slice %arg5[%mul3A_35, %dma_start3A_36] : memref<330176x128xf32, #tpu.memory_space<hbm>> -> memref<88x128xf32, #tpu.memory_space<hbm>>
    %dma_start3A_38 = arith.constant 0 : i32
    %dma_start3A_39 = tpu.memref_slice %arg5[%mul3A_35, %dma_start3A_38] : memref<330176x128xf32, #tpu.memory_space<hbm>> -> memref<88x128xf32, #tpu.memory_space<hbm>>
    tpu.enqueue_dma source(%dma_start3A_39 : memref<88x128xf32, #tpu.memory_space<hbm>>) target(%arg18 : memref<88x128xf32, #tpu.memory_space<vmem>>) target_semaphore(%arg25 : memref<!tpu.dma_semaphore, #tpu.memory_space<semaphore_mem>>)
    %add3A_40 = arith.constant 1 : i32
    %add3A_41 = arith.addi %select_n3A, %add3A_40 : i32
    %mul3A_42 = arith.constant 88 : i32
    %mul3A_43 = arith.muli %add3A_41, %mul3A_42 : i32
    %dma_start3A_44 = tpu.memref_slice %arg3[%mul3A_43] : memref<330176xi32, #tpu.memory_space<hbm>> -> memref<88xi32, #tpu.memory_space<hbm>>
    %dma_start3A_45 = tpu.memref_slice %arg3[%mul3A_43] : memref<330176xi32, #tpu.memory_space<hbm>> -> memref<88xi32, #tpu.memory_space<hbm>>
    tpu.enqueue_dma source(%dma_start3A_45 : memref<88xi32, #tpu.memory_space<hbm>>) target(%arg9 : memref<88xi32, #tpu.memory_space<vmem>>) target_semaphore(%arg22 : memref<!tpu.dma_semaphore, #tpu.memory_space<semaphore_mem>>)
    %add3A_46 = arith.constant 1 : i32
    %add3A_47 = arith.addi %select_n3A, %add3A_46 : i32
    %mul3A_48 = arith.constant 88 : i32
    %mul3A_49 = arith.muli %add3A_47, %mul3A_48 : i32
    %dma_start3A_50 = tpu.memref_slice %arg4[%mul3A_49] : memref<330176xi32, #tpu.memory_space<hbm>> -> memref<88xi32, #tpu.memory_space<hbm>>
    %dma_start3A_51 = tpu.memref_slice %arg4[%mul3A_49] : memref<330176xi32, #tpu.memory_space<hbm>> -> memref<88xi32, #tpu.memory_space<hbm>>
    tpu.enqueue_dma source(%dma_start3A_51 : memref<88xi32, #tpu.memory_space<hbm>>) target(%arg13 : memref<88xi32, #tpu.memory_space<vmem>>) target_semaphore(%arg22 : memref<!tpu.dma_semaphore, #tpu.memory_space<semaphore_mem>>)
    %add3A_52 = arith.constant 2 : i32
    %add3A_53 = arith.addi %select_n3A, %add3A_52 : i32
    %mul3A_54 = arith.constant 88 : i32
    %mul3A_55 = arith.muli %add3A_53, %mul3A_54 : i32
    %dma_start3A_56 = tpu.memref_slice %arg3[%mul3A_55] : memref<330176xi32, #tpu.memory_space<hbm>> -> memref<88xi32, #tpu.memory_space<hbm>>
    %dma_start3A_57 = tpu.memref_slice %arg3[%mul3A_55] : memref<330176xi32, #tpu.memory_space<hbm>> -> memref<88xi32, #tpu.memory_space<hbm>>
    tpu.enqueue_dma source(%dma_start3A_57 : memref<88xi32, #tpu.memory_space<hbm>>) target(%arg10 : memref<88xi32, #tpu.memory_space<vmem>>) target_semaphore(%arg23 : memref<!tpu.dma_semaphore, #tpu.memory_space<semaphore_mem>>)
    %add3A_58 = arith.constant 2 : i32
    %add3A_59 = arith.addi %select_n3A, %add3A_58 : i32
    %mul3A_60 = arith.constant 88 : i32
    %mul3A_61 = arith.muli %add3A_59, %mul3A_60 : i32
    %dma_start3A_62 = tpu.memref_slice %arg4[%mul3A_61] : memref<330176xi32, #tpu.memory_space<hbm>> -> memref<88xi32, #tpu.memory_space<hbm>>
    %dma_start3A_63 = tpu.memref_slice %arg4[%mul3A_61] : memref<330176xi32, #tpu.memory_space<hbm>> -> memref<88xi32, #tpu.memory_space<hbm>>
    tpu.enqueue_dma source(%dma_start3A_63 : memref<88xi32, #tpu.memory_space<hbm>>) target(%arg14 : memref<88xi32, #tpu.memory_space<vmem>>) target_semaphore(%arg23 : memref<!tpu.dma_semaphore, #tpu.memory_space<semaphore_mem>>)
    %dma_wait3A_64 = arith.constant 0 : i32
    %dma_wait3A_65 = tpu.memref_slice %arg3[%dma_wait3A_64] : memref<330176xi32, #tpu.memory_space<hbm>> -> memref<88xi32, #tpu.memory_space<hbm>>
    %dma_wait3A_66 = arith.constant 0 : i32
    %dma_wait3A_67 = tpu.memref_slice %arg3[%dma_wait3A_66] : memref<330176xi32, #tpu.memory_space<hbm>> -> memref<88xi32, #tpu.memory_space<hbm>>
    tpu.wait_dma2 semaphore(%arg22 : memref<!tpu.dma_semaphore, #tpu.memory_space<semaphore_mem>>) src(%dma_wait3A_67 : memref<88xi32, #tpu.memory_space<hbm>>) dst(%arg9 : memref<88xi32, #tpu.memory_space<vmem>>)
    %dma_wait3A_68 = arith.constant 0 : i32
    %dma_wait3A_69 = tpu.memref_slice %arg3[%dma_wait3A_68] : memref<330176xi32, #tpu.memory_space<hbm>> -> memref<88xi32, #tpu.memory_space<hbm>>
    %dma_wait3A_70 = arith.constant 0 : i32
    %dma_wait3A_71 = tpu.memref_slice %arg3[%dma_wait3A_70] : memref<330176xi32, #tpu.memory_space<hbm>> -> memref<88xi32, #tpu.memory_space<hbm>>
    tpu.wait_dma2 semaphore(%arg22 : memref<!tpu.dma_semaphore, #tpu.memory_space<semaphore_mem>>) src(%dma_wait3A_71 : memref<88xi32, #tpu.memory_space<hbm>>) dst(%arg13 : memref<88xi32, #tpu.memory_space<vmem>>)
    %dma_start3A_72 = arith.constant 0 : i32
    %dma_start3A_73 = arith.constant 0 : i32
    %dma_start3A_74 = tpu.memref_slice %arg2[%dma_start3A_72, %dma_start3A_73] : memref<10000x128xf32, #tpu.memory_space<hbm>> -> memref<10000x128xf32, #tpu.memory_space<hbm>>
    tpu.enqueue_indirect_dma source(%dma_start3A_74 : memref<10000x128xf32, #tpu.memory_space<hbm>>) target(%arg17 : memref<88x128xf32, #tpu.memory_space<vmem>>) offsets(%arg9 : memref<88xi32, #tpu.memory_space<vmem>>) semaphore(%arg26 : memref<!tpu.dma_semaphore, #tpu.memory_space<semaphore_mem>>)
    %add3A_75 = arith.constant 1 : i32
    %add3A_76 = arith.addi %select_n3A, %add3A_75 : i32
    %mul3A_77 = arith.constant 88 : i32
    %mul3A_78 = arith.muli %add3A_76, %mul3A_77 : i32
    %dma_start3A_79 = arith.constant 0 : i32
    %dma_start3A_80 = tpu.memref_slice %arg5[%mul3A_78, %dma_start3A_79] : memref<330176x128xf32, #tpu.memory_space<hbm>> -> memref<88x128xf32, #tpu.memory_space<hbm>>
    %dma_start3A_81 = arith.constant 0 : i32
    %dma_start3A_82 = tpu.memref_slice %arg5[%mul3A_78, %dma_start3A_81] : memref<330176x128xf32, #tpu.memory_space<hbm>> -> memref<88x128xf32, #tpu.memory_space<hbm>>
    tpu.enqueue_dma source(%dma_start3A_82 : memref<88x128xf32, #tpu.memory_space<hbm>>) target(%arg19 : memref<88x128xf32, #tpu.memory_space<vmem>>) target_semaphore(%arg26 : memref<!tpu.dma_semaphore, #tpu.memory_space<semaphore_mem>>)
    %dma_wait3A_83 = arith.constant 0 : i32
    %dma_wait3A_84 = arith.constant 0 : i32
    %dma_wait3A_85 = tpu.memref_slice %arg5[%dma_wait3A_83, %dma_wait3A_84] : memref<330176x128xf32, #tpu.memory_space<hbm>> -> memref<88x128xf32, #tpu.memory_space<hbm>>
    %dma_wait3A_86 = arith.constant 0 : i32
    %dma_wait3A_87 = arith.constant 0 : i32
    %dma_wait3A_88 = tpu.memref_slice %arg5[%dma_wait3A_86, %dma_wait3A_87] : memref<330176x128xf32, #tpu.memory_space<hbm>> -> memref<88x128xf32, #tpu.memory_space<hbm>>
    tpu.wait_dma2 semaphore(%arg25 : memref<!tpu.dma_semaphore, #tpu.memory_space<semaphore_mem>>) src(%dma_wait3A_88 : memref<88x128xf32, #tpu.memory_space<hbm>>) dst(%arg16 : memref<88x128xf32, #tpu.memory_space<vmem>>)
    %dma_wait3A_89 = arith.constant 0 : i32
    %dma_wait3A_90 = arith.constant 0 : i32
    %dma_wait3A_91 = tpu.memref_slice %arg5[%dma_wait3A_89, %dma_wait3A_90] : memref<330176x128xf32, #tpu.memory_space<hbm>> -> memref<88x128xf32, #tpu.memory_space<hbm>>
    %dma_wait3A_92 = arith.constant 0 : i32
    %dma_wait3A_93 = arith.constant 0 : i32
    %dma_wait3A_94 = tpu.memref_slice %arg5[%dma_wait3A_92, %dma_wait3A_93] : memref<330176x128xf32, #tpu.memory_space<hbm>> -> memref<88x128xf32, #tpu.memory_space<hbm>>
    tpu.wait_dma2 semaphore(%arg25 : memref<!tpu.dma_semaphore, #tpu.memory_space<semaphore_mem>>) src(%dma_wait3A_94 : memref<88x128xf32, #tpu.memory_space<hbm>>) dst(%arg18 : memref<88x128xf32, #tpu.memory_space<vmem>>)
    %dma_start3A_95 = arith.constant 0 : i32
    %dma_start3A_96 = arith.constant 0 : i32
    %dma_start3A_97 = tpu.memref_slice %arg20[%dma_start3A_95, %dma_start3A_96] : memref<10112x128xf32, #tpu.memory_space<vmem_shared>> -> memref<10112x128xf32, #tpu.memory_space<vmem_shared>>
    tpu.enqueue_indirect_dma source(%arg16 : memref<88x128xf32, #tpu.memory_space<vmem>>) target(%dma_start3A_97 : memref<10112x128xf32, #tpu.memory_space<vmem_shared>>) offsets(%arg12 : memref<88xi32, #tpu.memory_space<vmem>>) semaphore(%arg27 : memref<!tpu.dma_semaphore, #tpu.memory_space<semaphore_mem>>) {add = true}
    %dma_start3A_98 = arith.constant 0 : i32
    %dma_start3A_99 = arith.constant 0 : i32
    %dma_start3A_100 = tpu.memref_slice %arg20[%dma_start3A_98, %dma_start3A_99] : memref<10112x128xf32, #tpu.memory_space<vmem_shared>> -> memref<10112x128xf32, #tpu.memory_space<vmem_shared>>
    tpu.enqueue_indirect_dma source(%arg18 : memref<88x128xf32, #tpu.memory_space<vmem>>) target(%dma_start3A_100 : memref<10112x128xf32, #tpu.memory_space<vmem_shared>>) offsets(%arg12 : memref<88xi32, #tpu.memory_space<vmem>>) semaphore(%arg27 : memref<!tpu.dma_semaphore, #tpu.memory_space<semaphore_mem>>) {add = true}
    %add3A_101 = arith.constant 3 : i32
    %add3A_102 = arith.addi %select_n3A, %add3A_101 : i32
    %mul3A_103 = arith.constant 88 : i32
    %mul3A_104 = arith.muli %add3A_102, %mul3A_103 : i32
    %dma_start3A_105 = tpu.memref_slice %arg3[%mul3A_104] : memref<330176xi32, #tpu.memory_space<hbm>> -> memref<88xi32, #tpu.memory_space<hbm>>
    %dma_start3A_106 = tpu.memref_slice %arg3[%mul3A_104] : memref<330176xi32, #tpu.memory_space<hbm>> -> memref<88xi32, #tpu.memory_space<hbm>>
    tpu.enqueue_dma source(%dma_start3A_106 : memref<88xi32, #tpu.memory_space<hbm>>) target(%arg11 : memref<88xi32, #tpu.memory_space<vmem>>) target_semaphore(%arg24 : memref<!tpu.dma_semaphore, #tpu.memory_space<semaphore_mem>>)
    %add3A_107 = arith.constant 3 : i32
    %add3A_108 = arith.addi %select_n3A, %add3A_107 : i32
    %mul3A_109 = arith.constant 88 : i32
    %mul3A_110 = arith.muli %add3A_108, %mul3A_109 : i32
    %dma_start3A_111 = tpu.memref_slice %arg4[%mul3A_110] : memref<330176xi32, #tpu.memory_space<hbm>> -> memref<88xi32, #tpu.memory_space<hbm>>
    %dma_start3A_112 = tpu.memref_slice %arg4[%mul3A_110] : memref<330176xi32, #tpu.memory_space<hbm>> -> memref<88xi32, #tpu.memory_space<hbm>>
    tpu.enqueue_dma source(%dma_start3A_112 : memref<88xi32, #tpu.memory_space<hbm>>) target(%arg15 : memref<88xi32, #tpu.memory_space<vmem>>) target_semaphore(%arg24 : memref<!tpu.dma_semaphore, #tpu.memory_space<semaphore_mem>>)
    %while3A = arith.constant 0 : i32
    %while3A_113 = arith.constant 0 : i32
    %while3A_114 = arith.subi %select_n3A_8, %while3A_113 : i32
    %while3A_115 = arith.addi %while3A_113, %while3A_114 : i32
    %while3A_116 = arith.constant 1 : i32
    %while3A_117 = arith.divsi %while3A_114, %while3A_116 : i32
    %while3A_118 = arith.muli %while3A_117, %while3A_116 : i32
    %while3A_119 = arith.addi %while3A_113, %while3A_118 : i32
    %while3A_120 = arith.constant 1 : i32
    scf.for %while3A_167 = %while3A_113 to %while3A_119 step %while3A_120  : i32 {
      %mul3A_168 = arith.constant 4 : i32
      %mul3A_169 = arith.muli %mul3A_168, %while3A_167 : i32
      %add3A_170 = arith.constant 1 : i32
      %add3A_171 = arith.addi %add3A_170, %mul3A_169 : i32
      %add3A_172 = arith.constant 0 : i32
      %add3A_173 = arith.addi %add3A_171, %add3A_172 : i32
      %dma_wait3A_174 = arith.constant 0 : i32
      %dma_wait3A_175 = tpu.memref_slice %arg3[%dma_wait3A_174] : memref<330176xi32, #tpu.memory_space<hbm>> -> memref<88xi32, #tpu.memory_space<hbm>>
      %dma_wait3A_176 = arith.constant 0 : i32
      %dma_wait3A_177 = tpu.memref_slice %arg3[%dma_wait3A_176] : memref<330176xi32, #tpu.memory_space<hbm>> -> memref<88xi32, #tpu.memory_space<hbm>>
      tpu.wait_dma2 semaphore(%arg23 : memref<!tpu.dma_semaphore, #tpu.memory_space<semaphore_mem>>) src(%dma_wait3A_177 : memref<88xi32, #tpu.memory_space<hbm>>) dst(%arg10 : memref<88xi32, #tpu.memory_space<vmem>>)
      %dma_wait3A_178 = arith.constant 0 : i32
      %dma_wait3A_179 = tpu.memref_slice %arg3[%dma_wait3A_178] : memref<330176xi32, #tpu.memory_space<hbm>> -> memref<88xi32, #tpu.memory_space<hbm>>
      %dma_wait3A_180 = arith.constant 0 : i32
      %dma_wait3A_181 = tpu.memref_slice %arg3[%dma_wait3A_180] : memref<330176xi32, #tpu.memory_space<hbm>> -> memref<88xi32, #tpu.memory_space<hbm>>
      tpu.wait_dma2 semaphore(%arg23 : memref<!tpu.dma_semaphore, #tpu.memory_space<semaphore_mem>>) src(%dma_wait3A_181 : memref<88xi32, #tpu.memory_space<hbm>>) dst(%arg14 : memref<88xi32, #tpu.memory_space<vmem>>)
      %dma_wait3A_182 = arith.constant 0 : i32
      %dma_wait3A_183 = arith.constant 0 : i32
      %dma_wait3A_184 = tpu.memref_slice %arg5[%dma_wait3A_182, %dma_wait3A_183] : memref<330176x128xf32, #tpu.memory_space<hbm>> -> memref<88x128xf32, #tpu.memory_space<hbm>>
      %dma_wait3A_185 = arith.constant 0 : i32
      %dma_wait3A_186 = arith.constant 0 : i32
      %dma_wait3A_187 = tpu.memref_slice %arg5[%dma_wait3A_185, %dma_wait3A_186] : memref<330176x128xf32, #tpu.memory_space<hbm>> -> memref<88x128xf32, #tpu.memory_space<hbm>>
      tpu.wait_dma2 semaphore(%arg27 : memref<!tpu.dma_semaphore, #tpu.memory_space<semaphore_mem>>) src(%dma_wait3A_187 : memref<88x128xf32, #tpu.memory_space<hbm>>) dst(%arg16 : memref<88x128xf32, #tpu.memory_space<vmem>>)
      %dma_wait3A_188 = arith.constant 0 : i32
      %dma_wait3A_189 = arith.constant 0 : i32
      %dma_wait3A_190 = tpu.memref_slice %arg5[%dma_wait3A_188, %dma_wait3A_189] : memref<330176x128xf32, #tpu.memory_space<hbm>> -> memref<88x128xf32, #tpu.memory_space<hbm>>
      %dma_wait3A_191 = arith.constant 0 : i32
      %dma_wait3A_192 = arith.constant 0 : i32
      %dma_wait3A_193 = tpu.memref_slice %arg5[%dma_wait3A_191, %dma_wait3A_192] : memref<330176x128xf32, #tpu.memory_space<hbm>> -> memref<88x128xf32, #tpu.memory_space<hbm>>
      tpu.wait_dma2 semaphore(%arg27 : memref<!tpu.dma_semaphore, #tpu.memory_space<semaphore_mem>>) src(%dma_wait3A_193 : memref<88x128xf32, #tpu.memory_space<hbm>>) dst(%arg18 : memref<88x128xf32, #tpu.memory_space<vmem>>)
      %add3A_194 = arith.constant 1 : i32
      %add3A_195 = arith.addi %add3A_173, %add3A_194 : i32
      %dma_start3A_196 = arith.constant 0 : i32
      %dma_start3A_197 = arith.constant 0 : i32
      %dma_start3A_198 = tpu.memref_slice %arg2[%dma_start3A_196, %dma_start3A_197] : memref<10000x128xf32, #tpu.memory_space<hbm>> -> memref<10000x128xf32, #tpu.memory_space<hbm>>
      tpu.enqueue_indirect_dma source(%dma_start3A_198 : memref<10000x128xf32, #tpu.memory_space<hbm>>) target(%arg16 : memref<88x128xf32, #tpu.memory_space<vmem>>) offsets(%arg10 : memref<88xi32, #tpu.memory_space<vmem>>) semaphore(%arg25 : memref<!tpu.dma_semaphore, #tpu.memory_space<semaphore_mem>>)
      %add3A_199 = arith.addi %select_n3A, %add3A_195 : i32
      %mul3A_200 = arith.constant 88 : i32
      %mul3A_201 = arith.muli %add3A_199, %mul3A_200 : i32
      %dma_start3A_202 = arith.constant 0 : i32
      %dma_start3A_203 = tpu.memref_slice %arg5[%mul3A_201, %dma_start3A_202] : memref<330176x128xf32, #tpu.memory_space<hbm>> -> memref<88x128xf32, #tpu.memory_space<hbm>>
      %dma_start3A_204 = arith.constant 0 : i32
      %dma_start3A_205 = tpu.memref_slice %arg5[%mul3A_201, %dma_start3A_204] : memref<330176x128xf32, #tpu.memory_space<hbm>> -> memref<88x128xf32, #tpu.memory_space<hbm>>
      tpu.enqueue_dma source(%dma_start3A_205 : memref<88x128xf32, #tpu.memory_space<hbm>>) target(%arg18 : memref<88x128xf32, #tpu.memory_space<vmem>>) target_semaphore(%arg25 : memref<!tpu.dma_semaphore, #tpu.memory_space<semaphore_mem>>)
      %dma_wait3A_206 = arith.constant 0 : i32
      %dma_wait3A_207 = arith.constant 0 : i32
      %dma_wait3A_208 = tpu.memref_slice %arg5[%dma_wait3A_206, %dma_wait3A_207] : memref<330176x128xf32, #tpu.memory_space<hbm>> -> memref<88x128xf32, #tpu.memory_space<hbm>>
      %dma_wait3A_209 = arith.constant 0 : i32
      %dma_wait3A_210 = arith.constant 0 : i32
      %dma_wait3A_211 = tpu.memref_slice %arg5[%dma_wait3A_209, %dma_wait3A_210] : memref<330176x128xf32, #tpu.memory_space<hbm>> -> memref<88x128xf32, #tpu.memory_space<hbm>>
      tpu.wait_dma2 semaphore(%arg26 : memref<!tpu.dma_semaphore, #tpu.memory_space<semaphore_mem>>) src(%dma_wait3A_211 : memref<88x128xf32, #tpu.memory_space<hbm>>) dst(%arg17 : memref<88x128xf32, #tpu.memory_space<vmem>>)
      %dma_wait3A_212 = arith.constant 0 : i32
      %dma_wait3A_213 = arith.constant 0 : i32
      %dma_wait3A_214 = tpu.memref_slice %arg5[%dma_wait3A_212, %dma_wait3A_213] : memref<330176x128xf32, #tpu.memory_space<hbm>> -> memref<88x128xf32, #tpu.memory_space<hbm>>
      %dma_wait3A_215 = arith.constant 0 : i32
      %dma_wait3A_216 = arith.constant 0 : i32
      %dma_wait3A_217 = tpu.memref_slice %arg5[%dma_wait3A_215, %dma_wait3A_216] : memref<330176x128xf32, #tpu.memory_space<hbm>> -> memref<88x128xf32, #tpu.memory_space<hbm>>
      tpu.wait_dma2 semaphore(%arg26 : memref<!tpu.dma_semaphore, #tpu.memory_space<semaphore_mem>>) src(%dma_wait3A_217 : memref<88x128xf32, #tpu.memory_space<hbm>>) dst(%arg19 : memref<88x128xf32, #tpu.memory_space<vmem>>)
      %dma_start3A_218 = arith.constant 0 : i32
      %dma_start3A_219 = arith.constant 0 : i32
      %dma_start3A_220 = tpu.memref_slice %arg20[%dma_start3A_218, %dma_start3A_219] : memref<10112x128xf32, #tpu.memory_space<vmem_shared>> -> memref<10112x128xf32, #tpu.memory_space<vmem_shared>>
      tpu.enqueue_indirect_dma source(%arg17 : memref<88x128xf32, #tpu.memory_space<vmem>>) target(%dma_start3A_220 : memref<10112x128xf32, #tpu.memory_space<vmem_shared>>) offsets(%arg13 : memref<88xi32, #tpu.memory_space<vmem>>) semaphore(%arg28 : memref<!tpu.dma_semaphore, #tpu.memory_space<semaphore_mem>>) {add = true}
      %dma_start3A_221 = arith.constant 0 : i32
      %dma_start3A_222 = arith.constant 0 : i32
      %dma_start3A_223 = tpu.memref_slice %arg20[%dma_start3A_221, %dma_start3A_222] : memref<10112x128xf32, #tpu.memory_space<vmem_shared>> -> memref<10112x128xf32, #tpu.memory_space<vmem_shared>>
      tpu.enqueue_indirect_dma source(%arg19 : memref<88x128xf32, #tpu.memory_space<vmem>>) target(%dma_start3A_223 : memref<10112x128xf32, #tpu.memory_space<vmem_shared>>) offsets(%arg13 : memref<88xi32, #tpu.memory_space<vmem>>) semaphore(%arg28 : memref<!tpu.dma_semaphore, #tpu.memory_space<semaphore_mem>>) {add = true}
      %add3A_224 = arith.constant 3 : i32
      %add3A_225 = arith.addi %add3A_173, %add3A_224 : i32
      %add3A_226 = arith.addi %select_n3A, %add3A_225 : i32
      %mul3A_227 = arith.constant 88 : i32
      %mul3A_228 = arith.muli %add3A_226, %mul3A_227 : i32
      %dma_start3A_229 = tpu.memref_slice %arg3[%mul3A_228] : memref<330176xi32, #tpu.memory_space<hbm>> -> memref<88xi32, #tpu.memory_space<hbm>>
      %dma_start3A_230 = tpu.memref_slice %arg3[%mul3A_228] : memref<330176xi32, #tpu.memory_space<hbm>> -> memref<88xi32, #tpu.memory_space<hbm>>
      tpu.enqueue_dma source(%dma_start3A_230 : memref<88xi32, #tpu.memory_space<hbm>>) target(%arg8 : memref<88xi32, #tpu.memory_space<vmem>>) target_semaphore(%arg21 : memref<!tpu.dma_semaphore, #tpu.memory_space<semaphore_mem>>)
      %add3A_231 = arith.addi %select_n3A, %add3A_225 : i32
      %mul3A_232 = arith.constant 88 : i32
      %mul3A_233 = arith.muli %add3A_231, %mul3A_232 : i32
      %dma_start3A_234 = tpu.memref_slice %arg4[%mul3A_233] : memref<330176xi32, #tpu.memory_space<hbm>> -> memref<88xi32, #tpu.memory_space<hbm>>
      %dma_start3A_235 = tpu.memref_slice %arg4[%mul3A_233] : memref<330176xi32, #tpu.memory_space<hbm>> -> memref<88xi32, #tpu.memory_space<hbm>>
      tpu.enqueue_dma source(%dma_start3A_235 : memref<88xi32, #tpu.memory_space<hbm>>) target(%arg12 : memref<88xi32, #tpu.memory_space<vmem>>) target_semaphore(%arg21 : memref<!tpu.dma_semaphore, #tpu.memory_space<semaphore_mem>>)
      %add3A_236 = arith.constant 1 : i32
      %add3A_237 = arith.addi %add3A_171, %add3A_236 : i32
      %dma_wait3A_238 = arith.constant 0 : i32
      %dma_wait3A_239 = tpu.memref_slice %arg3[%dma_wait3A_238] : memref<330176xi32, #tpu.memory_space<hbm>> -> memref<88xi32, #tpu.memory_space<hbm>>
      %dma_wait3A_240 = arith.constant 0 : i32
      %dma_wait3A_241 = tpu.memref_slice %arg3[%dma_wait3A_240] : memref<330176xi32, #tpu.memory_space<hbm>> -> memref<88xi32, #tpu.memory_space<hbm>>
      tpu.wait_dma2 semaphore(%arg24 : memref<!tpu.dma_semaphore, #tpu.memory_space<semaphore_mem>>) src(%dma_wait3A_241 : memref<88xi32, #tpu.memory_space<hbm>>) dst(%arg11 : memref<88xi32, #tpu.memory_space<vmem>>)
      %dma_wait3A_242 = arith.constant 0 : i32
      %dma_wait3A_243 = tpu.memref_slice %arg3[%dma_wait3A_242] : memref<330176xi32, #tpu.memory_space<hbm>> -> memref<88xi32, #tpu.memory_space<hbm>>
      %dma_wait3A_244 = arith.constant 0 : i32
      %dma_wait3A_245 = tpu.memref_slice %arg3[%dma_wait3A_244] : memref<330176xi32, #tpu.memory_space<hbm>> -> memref<88xi32, #tpu.memory_space<hbm>>
      tpu.wait_dma2 semaphore(%arg24 : memref<!tpu.dma_semaphore, #tpu.memory_space<semaphore_mem>>) src(%dma_wait3A_245 : memref<88xi32, #tpu.memory_space<hbm>>) dst(%arg15 : memref<88xi32, #tpu.memory_space<vmem>>)
      %dma_wait3A_246 = arith.constant 0 : i32
      %dma_wait3A_247 = arith.constant 0 : i32
      %dma_wait3A_248 = tpu.memref_slice %arg5[%dma_wait3A_246, %dma_wait3A_247] : memref<330176x128xf32, #tpu.memory_space<hbm>> -> memref<88x128xf32, #tpu.memory_space<hbm>>
      %dma_wait3A_249 = arith.constant 0 : i32
      %dma_wait3A_250 = arith.constant 0 : i32
      %dma_wait3A_251 = tpu.memref_slice %arg5[%dma_wait3A_249, %dma_wait3A_250] : memref<330176x128xf32, #tpu.memory_space<hbm>> -> memref<88x128xf32, #tpu.memory_space<hbm>>
      tpu.wait_dma2 semaphore(%arg28 : memref<!tpu.dma_semaphore, #tpu.memory_space<semaphore_mem>>) src(%dma_wait3A_251 : memref<88x128xf32, #tpu.memory_space<hbm>>) dst(%arg17 : memref<88x128xf32, #tpu.memory_space<vmem>>)
      %dma_wait3A_252 = arith.constant 0 : i32
      %dma_wait3A_253 = arith.constant 0 : i32
      %dma_wait3A_254 = tpu.memref_slice %arg5[%dma_wait3A_252, %dma_wait3A_253] : memref<330176x128xf32, #tpu.memory_space<hbm>> -> memref<88x128xf32, #tpu.memory_space<hbm>>
      %dma_wait3A_255 = arith.constant 0 : i32
      %dma_wait3A_256 = arith.constant 0 : i32
      %dma_wait3A_257 = tpu.memref_slice %arg5[%dma_wait3A_255, %dma_wait3A_256] : memref<330176x128xf32, #tpu.memory_space<hbm>> -> memref<88x128xf32, #tpu.memory_space<hbm>>
      tpu.wait_dma2 semaphore(%arg28 : memref<!tpu.dma_semaphore, #tpu.memory_space<semaphore_mem>>) src(%dma_wait3A_257 : memref<88x128xf32, #tpu.memory_space<hbm>>) dst(%arg19 : memref<88x128xf32, #tpu.memory_space<vmem>>)
      %add3A_258 = arith.constant 1 : i32
      %add3A_259 = arith.addi %add3A_237, %add3A_258 : i32
      %dma_start3A_260 = arith.constant 0 : i32
      %dma_start3A_261 = arith.constant 0 : i32
      %dma_start3A_262 = tpu.memref_slice %arg2[%dma_start3A_260, %dma_start3A_261] : memref<10000x128xf32, #tpu.memory_space<hbm>> -> memref<10000x128xf32, #tpu.memory_space<hbm>>
      tpu.enqueue_indirect_dma source(%dma_start3A_262 : memref<10000x128xf32, #tpu.memory_space<hbm>>) target(%arg17 : memref<88x128xf32, #tpu.memory_space<vmem>>) offsets(%arg11 : memref<88xi32, #tpu.memory_space<vmem>>) semaphore(%arg26 : memref<!tpu.dma_semaphore, #tpu.memory_space<semaphore_mem>>)
      %add3A_263 = arith.addi %select_n3A, %add3A_259 : i32
      %mul3A_264 = arith.constant 88 : i32
      %mul3A_265 = arith.muli %add3A_263, %mul3A_264 : i32
      %dma_start3A_266 = arith.constant 0 : i32
      %dma_start3A_267 = tpu.memref_slice %arg5[%mul3A_265, %dma_start3A_266] : memref<330176x128xf32, #tpu.memory_space<hbm>> -> memref<88x128xf32, #tpu.memory_space<hbm>>
      %dma_start3A_268 = arith.constant 0 : i32
      %dma_start3A_269 = tpu.memref_slice %arg5[%mul3A_265, %dma_start3A_268] : memref<330176x128xf32, #tpu.memory_space<hbm>> -> memref<88x128xf32, #tpu.memory_space<hbm>>
      tpu.enqueue_dma source(%dma_start3A_269 : memref<88x128xf32, #tpu.memory_space<hbm>>) target(%arg19 : memref<88x128xf32, #tpu.memory_space<vmem>>) target_semaphore(%arg26 : memref<!tpu.dma_semaphore, #tpu.memory_space<semaphore_mem>>)
      %dma_wait3A_270 = arith.constant 0 : i32
      %dma_wait3A_271 = arith.constant 0 : i32
      %dma_wait3A_272 = tpu.memref_slice %arg5[%dma_wait3A_270, %dma_wait3A_271] : memref<330176x128xf32, #tpu.memory_space<hbm>> -> memref<88x128xf32, #tpu.memory_space<hbm>>
      %dma_wait3A_273 = arith.constant 0 : i32
      %dma_wait3A_274 = arith.constant 0 : i32
      %dma_wait3A_275 = tpu.memref_slice %arg5[%dma_wait3A_273, %dma_wait3A_274] : memref<330176x128xf32, #tpu.memory_space<hbm>> -> memref<88x128xf32, #tpu.memory_space<hbm>>
      tpu.wait_dma2 semaphore(%arg25 : memref<!tpu.dma_semaphore, #tpu.memory_space<semaphore_mem>>) src(%dma_wait3A_275 : memref<88x128xf32, #tpu.memory_space<hbm>>) dst(%arg16 : memref<88x128xf32, #tpu.memory_space<vmem>>)
      %dma_wait3A_276 = arith.constant 0 : i32
      %dma_wait3A_277 = arith.constant 0 : i32
      %dma_wait3A_278 = tpu.memref_slice %arg5[%dma_wait3A_276, %dma_wait3A_277] : memref<330176x128xf32, #tpu.memory_space<hbm>> -> memref<88x128xf32, #tpu.memory_space<hbm>>
      %dma_wait3A_279 = arith.constant 0 : i32
      %dma_wait3A_280 = arith.constant 0 : i32
      %dma_wait3A_281 = tpu.memref_slice %arg5[%dma_wait3A_279, %dma_wait3A_280] : memref<330176x128xf32, #tpu.memory_space<hbm>> -> memref<88x128xf32, #tpu.memory_space<hbm>>
      tpu.wait_dma2 semaphore(%arg25 : memref<!tpu.dma_semaphore, #tpu.memory_space<semaphore_mem>>) src(%dma_wait3A_281 : memref<88x128xf32, #tpu.memory_space<hbm>>) dst(%arg18 : memref<88x128xf32, #tpu.memory_space<vmem>>)
      %dma_start3A_282 = arith.constant 0 : i32
      %dma_start3A_283 = arith.constant 0 : i32
      %dma_start3A_284 = tpu.memref_slice %arg20[%dma_start3A_282, %dma_start3A_283] : memref<10112x128xf32, #tpu.memory_space<vmem_shared>> -> memref<10112x128xf32, #tpu.memory_space<vmem_shared>>
      tpu.enqueue_indirect_dma source(%arg16 : memref<88x128xf32, #tpu.memory_space<vmem>>) target(%dma_start3A_284 : memref<10112x128xf32, #tpu.memory_space<vmem_shared>>) offsets(%arg14 : memref<88xi32, #tpu.memory_space<vmem>>) semaphore(%arg27 : memref<!tpu.dma_semaphore, #tpu.memory_space<semaphore_mem>>) {add = true}
      %dma_start3A_285 = arith.constant 0 : i32
      %dma_start3A_286 = arith.constant 0 : i32
      %dma_start3A_287 = tpu.memref_slice %arg20[%dma_start3A_285, %dma_start3A_286] : memref<10112x128xf32, #tpu.memory_space<vmem_shared>> -> memref<10112x128xf32, #tpu.memory_space<vmem_shared>>
      tpu.enqueue_indirect_dma source(%arg18 : memref<88x128xf32, #tpu.memory_space<vmem>>) target(%dma_start3A_287 : memref<10112x128xf32, #tpu.memory_space<vmem_shared>>) offsets(%arg14 : memref<88xi32, #tpu.memory_space<vmem>>) semaphore(%arg27 : memref<!tpu.dma_semaphore, #tpu.memory_space<semaphore_mem>>) {add = true}
      %add3A_288 = arith.constant 3 : i32
      %add3A_289 = arith.addi %add3A_237, %add3A_288 : i32
      %add3A_290 = arith.addi %select_n3A, %add3A_289 : i32
      %mul3A_291 = arith.constant 88 : i32
      %mul3A_292 = arith.muli %add3A_290, %mul3A_291 : i32
      %dma_start3A_293 = tpu.memref_slice %arg3[%mul3A_292] : memref<330176xi32, #tpu.memory_space<hbm>> -> memref<88xi32, #tpu.memory_space<hbm>>
      %dma_start3A_294 = tpu.memref_slice %arg3[%mul3A_292] : memref<330176xi32, #tpu.memory_space<hbm>> -> memref<88xi32, #tpu.memory_space<hbm>>
      tpu.enqueue_dma source(%dma_start3A_294 : memref<88xi32, #tpu.memory_space<hbm>>) target(%arg9 : memref<88xi32, #tpu.memory_space<vmem>>) target_semaphore(%arg22 : memref<!tpu.dma_semaphore, #tpu.memory_space<semaphore_mem>>)
      %add3A_295 = arith.addi %select_n3A, %add3A_289 : i32
      %mul3A_296 = arith.constant 88 : i32
      %mul3A_297 = arith.muli %add3A_295, %mul3A_296 : i32
      %dma_start3A_298 = tpu.memref_slice %arg4[%mul3A_297] : memref<330176xi32, #tpu.memory_space<hbm>> -> memref<88xi32, #tpu.memory_space<hbm>>
      %dma_start3A_299 = tpu.memref_slice %arg4[%mul3A_297] : memref<330176xi32, #tpu.memory_space<hbm>> -> memref<88xi32, #tpu.memory_space<hbm>>
      tpu.enqueue_dma source(%dma_start3A_299 : memref<88xi32, #tpu.memory_space<hbm>>) target(%arg13 : memref<88xi32, #tpu.memory_space<vmem>>) target_semaphore(%arg22 : memref<!tpu.dma_semaphore, #tpu.memory_space<semaphore_mem>>)
      %add3A_300 = arith.constant 2 : i32
      %add3A_301 = arith.addi %add3A_171, %add3A_300 : i32
      %dma_wait3A_302 = arith.constant 0 : i32
      %dma_wait3A_303 = tpu.memref_slice %arg3[%dma_wait3A_302] : memref<330176xi32, #tpu.memory_space<hbm>> -> memref<88xi32, #tpu.memory_space<hbm>>
      %dma_wait3A_304 = arith.constant 0 : i32
      %dma_wait3A_305 = tpu.memref_slice %arg3[%dma_wait3A_304] : memref<330176xi32, #tpu.memory_space<hbm>> -> memref<88xi32, #tpu.memory_space<hbm>>
      tpu.wait_dma2 semaphore(%arg21 : memref<!tpu.dma_semaphore, #tpu.memory_space<semaphore_mem>>) src(%dma_wait3A_305 : memref<88xi32, #tpu.memory_space<hbm>>) dst(%arg8 : memref<88xi32, #tpu.memory_space<vmem>>)
      %dma_wait3A_306 = arith.constant 0 : i32
      %dma_wait3A_307 = tpu.memref_slice %arg3[%dma_wait3A_306] : memref<330176xi32, #tpu.memory_space<hbm>> -> memref<88xi32, #tpu.memory_space<hbm>>
      %dma_wait3A_308 = arith.constant 0 : i32
      %dma_wait3A_309 = tpu.memref_slice %arg3[%dma_wait3A_308] : memref<330176xi32, #tpu.memory_space<hbm>> -> memref<88xi32, #tpu.memory_space<hbm>>
      tpu.wait_dma2 semaphore(%arg21 : memref<!tpu.dma_semaphore, #tpu.memory_space<semaphore_mem>>) src(%dma_wait3A_309 : memref<88xi32, #tpu.memory_space<hbm>>) dst(%arg12 : memref<88xi32, #tpu.memory_space<vmem>>)
      %dma_wait3A_310 = arith.constant 0 : i32
      %dma_wait3A_311 = arith.constant 0 : i32
      %dma_wait3A_312 = tpu.memref_slice %arg5[%dma_wait3A_310, %dma_wait3A_311] : memref<330176x128xf32, #tpu.memory_space<hbm>> -> memref<88x128xf32, #tpu.memory_space<hbm>>
      %dma_wait3A_313 = arith.constant 0 : i32
      %dma_wait3A_314 = arith.constant 0 : i32
      %dma_wait3A_315 = tpu.memref_slice %arg5[%dma_wait3A_313, %dma_wait3A_314] : memref<330176x128xf32, #tpu.memory_space<hbm>> -> memref<88x128xf32, #tpu.memory_space<hbm>>
      tpu.wait_dma2 semaphore(%arg27 : memref<!tpu.dma_semaphore, #tpu.memory_space<semaphore_mem>>) src(%dma_wait3A_315 : memref<88x128xf32, #tpu.memory_space<hbm>>) dst(%arg16 : memref<88x128xf32, #tpu.memory_space<vmem>>)
      %dma_wait3A_316 = arith.constant 0 : i32
      %dma_wait3A_317 = arith.constant 0 : i32
      %dma_wait3A_318 = tpu.memref_slice %arg5[%dma_wait3A_316, %dma_wait3A_317] : memref<330176x128xf32, #tpu.memory_space<hbm>> -> memref<88x128xf32, #tpu.memory_space<hbm>>
      %dma_wait3A_319 = arith.constant 0 : i32
      %dma_wait3A_320 = arith.constant 0 : i32
      %dma_wait3A_321 = tpu.memref_slice %arg5[%dma_wait3A_319, %dma_wait3A_320] : memref<330176x128xf32, #tpu.memory_space<hbm>> -> memref<88x128xf32, #tpu.memory_space<hbm>>
      tpu.wait_dma2 semaphore(%arg27 : memref<!tpu.dma_semaphore, #tpu.memory_space<semaphore_mem>>) src(%dma_wait3A_321 : memref<88x128xf32, #tpu.memory_space<hbm>>) dst(%arg18 : memref<88x128xf32, #tpu.memory_space<vmem>>)
      %add3A_322 = arith.constant 1 : i32
      %add3A_323 = arith.addi %add3A_301, %add3A_322 : i32
      %dma_start3A_324 = arith.constant 0 : i32
      %dma_start3A_325 = arith.constant 0 : i32
      %dma_start3A_326 = tpu.memref_slice %arg2[%dma_start3A_324, %dma_start3A_325] : memref<10000x128xf32, #tpu.memory_space<hbm>> -> memref<10000x128xf32, #tpu.memory_space<hbm>>
      tpu.enqueue_indirect_dma source(%dma_start3A_326 : memref<10000x128xf32, #tpu.memory_space<hbm>>) target(%arg16 : memref<88x128xf32, #tpu.memory_space<vmem>>) offsets(%arg8 : memref<88xi32, #tpu.memory_space<vmem>>) semaphore(%arg25 : memref<!tpu.dma_semaphore, #tpu.memory_space<semaphore_mem>>)
      %add3A_327 = arith.addi %select_n3A, %add3A_323 : i32
      %mul3A_328 = arith.constant 88 : i32
      %mul3A_329 = arith.muli %add3A_327, %mul3A_328 : i32
      %dma_start3A_330 = arith.constant 0 : i32
      %dma_start3A_331 = tpu.memref_slice %arg5[%mul3A_329, %dma_start3A_330] : memref<330176x128xf32, #tpu.memory_space<hbm>> -> memref<88x128xf32, #tpu.memory_space<hbm>>
      %dma_start3A_332 = arith.constant 0 : i32
      %dma_start3A_333 = tpu.memref_slice %arg5[%mul3A_329, %dma_start3A_332] : memref<330176x128xf32, #tpu.memory_space<hbm>> -> memref<88x128xf32, #tpu.memory_space<hbm>>
      tpu.enqueue_dma source(%dma_start3A_333 : memref<88x128xf32, #tpu.memory_space<hbm>>) target(%arg18 : memref<88x128xf32, #tpu.memory_space<vmem>>) target_semaphore(%arg25 : memref<!tpu.dma_semaphore, #tpu.memory_space<semaphore_mem>>)
      %dma_wait3A_334 = arith.constant 0 : i32
      %dma_wait3A_335 = arith.constant 0 : i32
      %dma_wait3A_336 = tpu.memref_slice %arg5[%dma_wait3A_334, %dma_wait3A_335] : memref<330176x128xf32, #tpu.memory_space<hbm>> -> memref<88x128xf32, #tpu.memory_space<hbm>>
      %dma_wait3A_337 = arith.constant 0 : i32
      %dma_wait3A_338 = arith.constant 0 : i32
      %dma_wait3A_339 = tpu.memref_slice %arg5[%dma_wait3A_337, %dma_wait3A_338] : memref<330176x128xf32, #tpu.memory_space<hbm>> -> memref<88x128xf32, #tpu.memory_space<hbm>>
      tpu.wait_dma2 semaphore(%arg26 : memref<!tpu.dma_semaphore, #tpu.memory_space<semaphore_mem>>) src(%dma_wait3A_339 : memref<88x128xf32, #tpu.memory_space<hbm>>) dst(%arg17 : memref<88x128xf32, #tpu.memory_space<vmem>>)
      %dma_wait3A_340 = arith.constant 0 : i32
      %dma_wait3A_341 = arith.constant 0 : i32
      %dma_wait3A_342 = tpu.memref_slice %arg5[%dma_wait3A_340, %dma_wait3A_341] : memref<330176x128xf32, #tpu.memory_space<hbm>> -> memref<88x128xf32, #tpu.memory_space<hbm>>
      %dma_wait3A_343 = arith.constant 0 : i32
      %dma_wait3A_344 = arith.constant 0 : i32
      %dma_wait3A_345 = tpu.memref_slice %arg5[%dma_wait3A_343, %dma_wait3A_344] : memref<330176x128xf32, #tpu.memory_space<hbm>> -> memref<88x128xf32, #tpu.memory_space<hbm>>
      tpu.wait_dma2 semaphore(%arg26 : memref<!tpu.dma_semaphore, #tpu.memory_space<semaphore_mem>>) src(%dma_wait3A_345 : memref<88x128xf32, #tpu.memory_space<hbm>>) dst(%arg19 : memref<88x128xf32, #tpu.memory_space<vmem>>)
      %dma_start3A_346 = arith.constant 0 : i32
      %dma_start3A_347 = arith.constant 0 : i32
      %dma_start3A_348 = tpu.memref_slice %arg20[%dma_start3A_346, %dma_start3A_347] : memref<10112x128xf32, #tpu.memory_space<vmem_shared>> -> memref<10112x128xf32, #tpu.memory_space<vmem_shared>>
      tpu.enqueue_indirect_dma source(%arg17 : memref<88x128xf32, #tpu.memory_space<vmem>>) target(%dma_start3A_348 : memref<10112x128xf32, #tpu.memory_space<vmem_shared>>) offsets(%arg15 : memref<88xi32, #tpu.memory_space<vmem>>) semaphore(%arg28 : memref<!tpu.dma_semaphore, #tpu.memory_space<semaphore_mem>>) {add = true}
      %dma_start3A_349 = arith.constant 0 : i32
      %dma_start3A_350 = arith.constant 0 : i32
      %dma_start3A_351 = tpu.memref_slice %arg20[%dma_start3A_349, %dma_start3A_350] : memref<10112x128xf32, #tpu.memory_space<vmem_shared>> -> memref<10112x128xf32, #tpu.memory_space<vmem_shared>>
      tpu.enqueue_indirect_dma source(%arg19 : memref<88x128xf32, #tpu.memory_space<vmem>>) target(%dma_start3A_351 : memref<10112x128xf32, #tpu.memory_space<vmem_shared>>) offsets(%arg15 : memref<88xi32, #tpu.memory_space<vmem>>) semaphore(%arg28 : memref<!tpu.dma_semaphore, #tpu.memory_space<semaphore_mem>>) {add = true}
      %add3A_352 = arith.constant 3 : i32
      %add3A_353 = arith.addi %add3A_301, %add3A_352 : i32
      %add3A_354 = arith.addi %select_n3A, %add3A_353 : i32
      %mul3A_355 = arith.constant 88 : i32
      %mul3A_356 = arith.muli %add3A_354, %mul3A_355 : i32
      %dma_start3A_357 = tpu.memref_slice %arg3[%mul3A_356] : memref<330176xi32, #tpu.memory_space<hbm>> -> memref<88xi32, #tpu.memory_space<hbm>>
      %dma_start3A_358 = tpu.memref_slice %arg3[%mul3A_356] : memref<330176xi32, #tpu.memory_space<hbm>> -> memref<88xi32, #tpu.memory_space<hbm>>
      tpu.enqueue_dma source(%dma_start3A_358 : memref<88xi32, #tpu.memory_space<hbm>>) target(%arg10 : memref<88xi32, #tpu.memory_space<vmem>>) target_semaphore(%arg23 : memref<!tpu.dma_semaphore, #tpu.memory_space<semaphore_mem>>)
      %add3A_359 = arith.addi %select_n3A, %add3A_353 : i32
      %mul3A_360 = arith.constant 88 : i32
      %mul3A_361 = arith.muli %add3A_359, %mul3A_360 : i32
      %dma_start3A_362 = tpu.memref_slice %arg4[%mul3A_361] : memref<330176xi32, #tpu.memory_space<hbm>> -> memref<88xi32, #tpu.memory_space<hbm>>
      %dma_start3A_363 = tpu.memref_slice %arg4[%mul3A_361] : memref<330176xi32, #tpu.memory_space<hbm>> -> memref<88xi32, #tpu.memory_space<hbm>>
      tpu.enqueue_dma source(%dma_start3A_363 : memref<88xi32, #tpu.memory_space<hbm>>) target(%arg14 : memref<88xi32, #tpu.memory_space<vmem>>) target_semaphore(%arg23 : memref<!tpu.dma_semaphore, #tpu.memory_space<semaphore_mem>>)
      %add3A_364 = arith.constant 3 : i32
      %add3A_365 = arith.addi %add3A_171, %add3A_364 : i32
      %dma_wait3A_366 = arith.constant 0 : i32
      %dma_wait3A_367 = tpu.memref_slice %arg3[%dma_wait3A_366] : memref<330176xi32, #tpu.memory_space<hbm>> -> memref<88xi32, #tpu.memory_space<hbm>>
      %dma_wait3A_368 = arith.constant 0 : i32
      %dma_wait3A_369 = tpu.memref_slice %arg3[%dma_wait3A_368] : memref<330176xi32, #tpu.memory_space<hbm>> -> memref<88xi32, #tpu.memory_space<hbm>>
      tpu.wait_dma2 semaphore(%arg22 : memref<!tpu.dma_semaphore, #tpu.memory_space<semaphore_mem>>) src(%dma_wait3A_369 : memref<88xi32, #tpu.memory_space<hbm>>) dst(%arg9 : memref<88xi32, #tpu.memory_space<vmem>>)
      %dma_wait3A_370 = arith.constant 0 : i32
      %dma_wait3A_371 = tpu.memref_slice %arg3[%dma_wait3A_370] : memref<330176xi32, #tpu.memory_space<hbm>> -> memref<88xi32, #tpu.memory_space<hbm>>
      %dma_wait3A_372 = arith.constant 0 : i32
      %dma_wait3A_373 = tpu.memref_slice %arg3[%dma_wait3A_372] : memref<330176xi32, #tpu.memory_space<hbm>> -> memref<88xi32, #tpu.memory_space<hbm>>
      tpu.wait_dma2 semaphore(%arg22 : memref<!tpu.dma_semaphore, #tpu.memory_space<semaphore_mem>>) src(%dma_wait3A_373 : memref<88xi32, #tpu.memory_space<hbm>>) dst(%arg13 : memref<88xi32, #tpu.memory_space<vmem>>)
      %dma_wait3A_374 = arith.constant 0 : i32
      %dma_wait3A_375 = arith.constant 0 : i32
      %dma_wait3A_376 = tpu.memref_slice %arg5[%dma_wait3A_374, %dma_wait3A_375] : memref<330176x128xf32, #tpu.memory_space<hbm>> -> memref<88x128xf32, #tpu.memory_space<hbm>>
      %dma_wait3A_377 = arith.constant 0 : i32
      %dma_wait3A_378 = arith.constant 0 : i32
      %dma_wait3A_379 = tpu.memref_slice %arg5[%dma_wait3A_377, %dma_wait3A_378] : memref<330176x128xf32, #tpu.memory_space<hbm>> -> memref<88x128xf32, #tpu.memory_space<hbm>>
      tpu.wait_dma2 semaphore(%arg28 : memref<!tpu.dma_semaphore, #tpu.memory_space<semaphore_mem>>) src(%dma_wait3A_379 : memref<88x128xf32, #tpu.memory_space<hbm>>) dst(%arg17 : memref<88x128xf32, #tpu.memory_space<vmem>>)
      %dma_wait3A_380 = arith.constant 0 : i32
      %dma_wait3A_381 = arith.constant 0 : i32
      %dma_wait3A_382 = tpu.memref_slice %arg5[%dma_wait3A_380, %dma_wait3A_381] : memref<330176x128xf32, #tpu.memory_space<hbm>> -> memref<88x128xf32, #tpu.memory_space<hbm>>
      %dma_wait3A_383 = arith.constant 0 : i32
      %dma_wait3A_384 = arith.constant 0 : i32
      %dma_wait3A_385 = tpu.memref_slice %arg5[%dma_wait3A_383, %dma_wait3A_384] : memref<330176x128xf32, #tpu.memory_space<hbm>> -> memref<88x128xf32, #tpu.memory_space<hbm>>
      tpu.wait_dma2 semaphore(%arg28 : memref<!tpu.dma_semaphore, #tpu.memory_space<semaphore_mem>>) src(%dma_wait3A_385 : memref<88x128xf32, #tpu.memory_space<hbm>>) dst(%arg19 : memref<88x128xf32, #tpu.memory_space<vmem>>)
      %add3A_386 = arith.constant 1 : i32
      %add3A_387 = arith.addi %add3A_365, %add3A_386 : i32
      %dma_start3A_388 = arith.constant 0 : i32
      %dma_start3A_389 = arith.constant 0 : i32
      %dma_start3A_390 = tpu.memref_slice %arg2[%dma_start3A_388, %dma_start3A_389] : memref<10000x128xf32, #tpu.memory_space<hbm>> -> memref<10000x128xf32, #tpu.memory_space<hbm>>
      tpu.enqueue_indirect_dma source(%dma_start3A_390 : memref<10000x128xf32, #tpu.memory_space<hbm>>) target(%arg17 : memref<88x128xf32, #tpu.memory_space<vmem>>) offsets(%arg9 : memref<88xi32, #tpu.memory_space<vmem>>) semaphore(%arg26 : memref<!tpu.dma_semaphore, #tpu.memory_space<semaphore_mem>>)
      %add3A_391 = arith.addi %select_n3A, %add3A_387 : i32
      %mul3A_392 = arith.constant 88 : i32
      %mul3A_393 = arith.muli %add3A_391, %mul3A_392 : i32
      %dma_start3A_394 = arith.constant 0 : i32
      %dma_start3A_395 = tpu.memref_slice %arg5[%mul3A_393, %dma_start3A_394] : memref<330176x128xf32, #tpu.memory_space<hbm>> -> memref<88x128xf32, #tpu.memory_space<hbm>>
      %dma_start3A_396 = arith.constant 0 : i32
      %dma_start3A_397 = tpu.memref_slice %arg5[%mul3A_393, %dma_start3A_396] : memref<330176x128xf32, #tpu.memory_space<hbm>> -> memref<88x128xf32, #tpu.memory_space<hbm>>
      tpu.enqueue_dma source(%dma_start3A_397 : memref<88x128xf32, #tpu.memory_space<hbm>>) target(%arg19 : memref<88x128xf32, #tpu.memory_space<vmem>>) target_semaphore(%arg26 : memref<!tpu.dma_semaphore, #tpu.memory_space<semaphore_mem>>)
      %dma_wait3A_398 = arith.constant 0 : i32
      %dma_wait3A_399 = arith.constant 0 : i32
      %dma_wait3A_400 = tpu.memref_slice %arg5[%dma_wait3A_398, %dma_wait3A_399] : memref<330176x128xf32, #tpu.memory_space<hbm>> -> memref<88x128xf32, #tpu.memory_space<hbm>>
      %dma_wait3A_401 = arith.constant 0 : i32
      %dma_wait3A_402 = arith.constant 0 : i32
      %dma_wait3A_403 = tpu.memref_slice %arg5[%dma_wait3A_401, %dma_wait3A_402] : memref<330176x128xf32, #tpu.memory_space<hbm>> -> memref<88x128xf32, #tpu.memory_space<hbm>>
      tpu.wait_dma2 semaphore(%arg25 : memref<!tpu.dma_semaphore, #tpu.memory_space<semaphore_mem>>) src(%dma_wait3A_403 : memref<88x128xf32, #tpu.memory_space<hbm>>) dst(%arg16 : memref<88x128xf32, #tpu.memory_space<vmem>>)
      %dma_wait3A_404 = arith.constant 0 : i32
      %dma_wait3A_405 = arith.constant 0 : i32
      %dma_wait3A_406 = tpu.memref_slice %arg5[%dma_wait3A_404, %dma_wait3A_405] : memref<330176x128xf32, #tpu.memory_space<hbm>> -> memref<88x128xf32, #tpu.memory_space<hbm>>
      %dma_wait3A_407 = arith.constant 0 : i32
      %dma_wait3A_408 = arith.constant 0 : i32
      %dma_wait3A_409 = tpu.memref_slice %arg5[%dma_wait3A_407, %dma_wait3A_408] : memref<330176x128xf32, #tpu.memory_space<hbm>> -> memref<88x128xf32, #tpu.memory_space<hbm>>
      tpu.wait_dma2 semaphore(%arg25 : memref<!tpu.dma_semaphore, #tpu.memory_space<semaphore_mem>>) src(%dma_wait3A_409 : memref<88x128xf32, #tpu.memory_space<hbm>>) dst(%arg18 : memref<88x128xf32, #tpu.memory_space<vmem>>)
      %dma_start3A_410 = arith.constant 0 : i32
      %dma_start3A_411 = arith.constant 0 : i32
      %dma_start3A_412 = tpu.memref_slice %arg20[%dma_start3A_410, %dma_start3A_411] : memref<10112x128xf32, #tpu.memory_space<vmem_shared>> -> memref<10112x128xf32, #tpu.memory_space<vmem_shared>>
      tpu.enqueue_indirect_dma source(%arg16 : memref<88x128xf32, #tpu.memory_space<vmem>>) target(%dma_start3A_412 : memref<10112x128xf32, #tpu.memory_space<vmem_shared>>) offsets(%arg12 : memref<88xi32, #tpu.memory_space<vmem>>) semaphore(%arg27 : memref<!tpu.dma_semaphore, #tpu.memory_space<semaphore_mem>>) {add = true}
      %dma_start3A_413 = arith.constant 0 : i32
      %dma_start3A_414 = arith.constant 0 : i32
      %dma_start3A_415 = tpu.memref_slice %arg20[%dma_start3A_413, %dma_start3A_414] : memref<10112x128xf32, #tpu.memory_space<vmem_shared>> -> memref<10112x128xf32, #tpu.memory_space<vmem_shared>>
      tpu.enqueue_indirect_dma source(%arg18 : memref<88x128xf32, #tpu.memory_space<vmem>>) target(%dma_start3A_415 : memref<10112x128xf32, #tpu.memory_space<vmem_shared>>) offsets(%arg12 : memref<88xi32, #tpu.memory_space<vmem>>) semaphore(%arg27 : memref<!tpu.dma_semaphore, #tpu.memory_space<semaphore_mem>>) {add = true}
      %add3A_416 = arith.constant 3 : i32
      %add3A_417 = arith.addi %add3A_365, %add3A_416 : i32
      %add3A_418 = arith.addi %select_n3A, %add3A_417 : i32
      %mul3A_419 = arith.constant 88 : i32
      %mul3A_420 = arith.muli %add3A_418, %mul3A_419 : i32
      %dma_start3A_421 = tpu.memref_slice %arg3[%mul3A_420] : memref<330176xi32, #tpu.memory_space<hbm>> -> memref<88xi32, #tpu.memory_space<hbm>>
      %dma_start3A_422 = tpu.memref_slice %arg3[%mul3A_420] : memref<330176xi32, #tpu.memory_space<hbm>> -> memref<88xi32, #tpu.memory_space<hbm>>
      tpu.enqueue_dma source(%dma_start3A_422 : memref<88xi32, #tpu.memory_space<hbm>>) target(%arg11 : memref<88xi32, #tpu.memory_space<vmem>>) target_semaphore(%arg24 : memref<!tpu.dma_semaphore, #tpu.memory_space<semaphore_mem>>)
      %add3A_423 = arith.addi %select_n3A, %add3A_417 : i32
      %mul3A_424 = arith.constant 88 : i32
      %mul3A_425 = arith.muli %add3A_423, %mul3A_424 : i32
      %dma_start3A_426 = tpu.memref_slice %arg4[%mul3A_425] : memref<330176xi32, #tpu.memory_space<hbm>> -> memref<88xi32, #tpu.memory_space<hbm>>
      %dma_start3A_427 = tpu.memref_slice %arg4[%mul3A_425] : memref<330176xi32, #tpu.memory_space<hbm>> -> memref<88xi32, #tpu.memory_space<hbm>>
      tpu.enqueue_dma source(%dma_start3A_427 : memref<88xi32, #tpu.memory_space<hbm>>) target(%arg15 : memref<88xi32, #tpu.memory_space<vmem>>) target_semaphore(%arg24 : memref<!tpu.dma_semaphore, #tpu.memory_space<semaphore_mem>>)
    }
    %while3A_121 = arith.constant 1 : i32
    scf.for %while3A_167 = %while3A_119 to %while3A_115 step %while3A_121  : i32 {
      %mul3A_168 = arith.constant 4 : i32
      %mul3A_169 = arith.muli %mul3A_168, %while3A_167 : i32
      %add3A_170 = arith.constant 1 : i32
      %add3A_171 = arith.addi %add3A_170, %mul3A_169 : i32
      %add3A_172 = arith.constant 0 : i32
      %add3A_173 = arith.addi %add3A_171, %add3A_172 : i32
      %dma_wait3A_174 = arith.constant 0 : i32
      %dma_wait3A_175 = tpu.memref_slice %arg3[%dma_wait3A_174] : memref<330176xi32, #tpu.memory_space<hbm>> -> memref<88xi32, #tpu.memory_space<hbm>>
      %dma_wait3A_176 = arith.constant 0 : i32
      %dma_wait3A_177 = tpu.memref_slice %arg3[%dma_wait3A_176] : memref<330176xi32, #tpu.memory_space<hbm>> -> memref<88xi32, #tpu.memory_space<hbm>>
      tpu.wait_dma2 semaphore(%arg23 : memref<!tpu.dma_semaphore, #tpu.memory_space<semaphore_mem>>) src(%dma_wait3A_177 : memref<88xi32, #tpu.memory_space<hbm>>) dst(%arg10 : memref<88xi32, #tpu.memory_space<vmem>>)
      %dma_wait3A_178 = arith.constant 0 : i32
      %dma_wait3A_179 = tpu.memref_slice %arg3[%dma_wait3A_178] : memref<330176xi32, #tpu.memory_space<hbm>> -> memref<88xi32, #tpu.memory_space<hbm>>
      %dma_wait3A_180 = arith.constant 0 : i32
      %dma_wait3A_181 = tpu.memref_slice %arg3[%dma_wait3A_180] : memref<330176xi32, #tpu.memory_space<hbm>> -> memref<88xi32, #tpu.memory_space<hbm>>
      tpu.wait_dma2 semaphore(%arg23 : memref<!tpu.dma_semaphore, #tpu.memory_space<semaphore_mem>>) src(%dma_wait3A_181 : memref<88xi32, #tpu.memory_space<hbm>>) dst(%arg14 : memref<88xi32, #tpu.memory_space<vmem>>)
      %dma_wait3A_182 = arith.constant 0 : i32
      %dma_wait3A_183 = arith.constant 0 : i32
      %dma_wait3A_184 = tpu.memref_slice %arg5[%dma_wait3A_182, %dma_wait3A_183] : memref<330176x128xf32, #tpu.memory_space<hbm>> -> memref<88x128xf32, #tpu.memory_space<hbm>>
      %dma_wait3A_185 = arith.constant 0 : i32
      %dma_wait3A_186 = arith.constant 0 : i32
      %dma_wait3A_187 = tpu.memref_slice %arg5[%dma_wait3A_185, %dma_wait3A_186] : memref<330176x128xf32, #tpu.memory_space<hbm>> -> memref<88x128xf32, #tpu.memory_space<hbm>>
      tpu.wait_dma2 semaphore(%arg27 : memref<!tpu.dma_semaphore, #tpu.memory_space<semaphore_mem>>) src(%dma_wait3A_187 : memref<88x128xf32, #tpu.memory_space<hbm>>) dst(%arg16 : memref<88x128xf32, #tpu.memory_space<vmem>>)
      %dma_wait3A_188 = arith.constant 0 : i32
      %dma_wait3A_189 = arith.constant 0 : i32
      %dma_wait3A_190 = tpu.memref_slice %arg5[%dma_wait3A_188, %dma_wait3A_189] : memref<330176x128xf32, #tpu.memory_space<hbm>> -> memref<88x128xf32, #tpu.memory_space<hbm>>
      %dma_wait3A_191 = arith.constant 0 : i32
      %dma_wait3A_192 = arith.constant 0 : i32
      %dma_wait3A_193 = tpu.memref_slice %arg5[%dma_wait3A_191, %dma_wait3A_192] : memref<330176x128xf32, #tpu.memory_space<hbm>> -> memref<88x128xf32, #tpu.memory_space<hbm>>
      tpu.wait_dma2 semaphore(%arg27 : memref<!tpu.dma_semaphore, #tpu.memory_space<semaphore_mem>>) src(%dma_wait3A_193 : memref<88x128xf32, #tpu.memory_space<hbm>>) dst(%arg18 : memref<88x128xf32, #tpu.memory_space<vmem>>)
      %add3A_194 = arith.constant 1 : i32
      %add3A_195 = arith.addi %add3A_173, %add3A_194 : i32
      %dma_start3A_196 = arith.constant 0 : i32
      %dma_start3A_197 = arith.constant 0 : i32
      %dma_start3A_198 = tpu.memref_slice %arg2[%dma_start3A_196, %dma_start3A_197] : memref<10000x128xf32, #tpu.memory_space<hbm>> -> memref<10000x128xf32, #tpu.memory_space<hbm>>
      tpu.enqueue_indirect_dma source(%dma_start3A_198 : memref<10000x128xf32, #tpu.memory_space<hbm>>) target(%arg16 : memref<88x128xf32, #tpu.memory_space<vmem>>) offsets(%arg10 : memref<88xi32, #tpu.memory_space<vmem>>) semaphore(%arg25 : memref<!tpu.dma_semaphore, #tpu.memory_space<semaphore_mem>>)
      %add3A_199 = arith.addi %select_n3A, %add3A_195 : i32
      %mul3A_200 = arith.constant 88 : i32
      %mul3A_201 = arith.muli %add3A_199, %mul3A_200 : i32
      %dma_start3A_202 = arith.constant 0 : i32
      %dma_start3A_203 = tpu.memref_slice %arg5[%mul3A_201, %dma_start3A_202] : memref<330176x128xf32, #tpu.memory_space<hbm>> -> memref<88x128xf32, #tpu.memory_space<hbm>>
      %dma_start3A_204 = arith.constant 0 : i32
      %dma_start3A_205 = tpu.memref_slice %arg5[%mul3A_201, %dma_start3A_204] : memref<330176x128xf32, #tpu.memory_space<hbm>> -> memref<88x128xf32, #tpu.memory_space<hbm>>
      tpu.enqueue_dma source(%dma_start3A_205 : memref<88x128xf32, #tpu.memory_space<hbm>>) target(%arg18 : memref<88x128xf32, #tpu.memory_space<vmem>>) target_semaphore(%arg25 : memref<!tpu.dma_semaphore, #tpu.memory_space<semaphore_mem>>)
      %dma_wait3A_206 = arith.constant 0 : i32
      %dma_wait3A_207 = arith.constant 0 : i32
      %dma_wait3A_208 = tpu.memref_slice %arg5[%dma_wait3A_206, %dma_wait3A_207] : memref<330176x128xf32, #tpu.memory_space<hbm>> -> memref<88x128xf32, #tpu.memory_space<hbm>>
      %dma_wait3A_209 = arith.constant 0 : i32
      %dma_wait3A_210 = arith.constant 0 : i32
      %dma_wait3A_211 = tpu.memref_slice %arg5[%dma_wait3A_209, %dma_wait3A_210] : memref<330176x128xf32, #tpu.memory_space<hbm>> -> memref<88x128xf32, #tpu.memory_space<hbm>>
      tpu.wait_dma2 semaphore(%arg26 : memref<!tpu.dma_semaphore, #tpu.memory_space<semaphore_mem>>) src(%dma_wait3A_211 : memref<88x128xf32, #tpu.memory_space<hbm>>) dst(%arg17 : memref<88x128xf32, #tpu.memory_space<vmem>>)
      %dma_wait3A_212 = arith.constant 0 : i32
      %dma_wait3A_213 = arith.constant 0 : i32
      %dma_wait3A_214 = tpu.memref_slice %arg5[%dma_wait3A_212, %dma_wait3A_213] : memref<330176x128xf32, #tpu.memory_space<hbm>> -> memref<88x128xf32, #tpu.memory_space<hbm>>
      %dma_wait3A_215 = arith.constant 0 : i32
      %dma_wait3A_216 = arith.constant 0 : i32
      %dma_wait3A_217 = tpu.memref_slice %arg5[%dma_wait3A_215, %dma_wait3A_216] : memref<330176x128xf32, #tpu.memory_space<hbm>> -> memref<88x128xf32, #tpu.memory_space<hbm>>
      tpu.wait_dma2 semaphore(%arg26 : memref<!tpu.dma_semaphore, #tpu.memory_space<semaphore_mem>>) src(%dma_wait3A_217 : memref<88x128xf32, #tpu.memory_space<hbm>>) dst(%arg19 : memref<88x128xf32, #tpu.memory_space<vmem>>)
      %dma_start3A_218 = arith.constant 0 : i32
      %dma_start3A_219 = arith.constant 0 : i32
      %dma_start3A_220 = tpu.memref_slice %arg20[%dma_start3A_218, %dma_start3A_219] : memref<10112x128xf32, #tpu.memory_space<vmem_shared>> -> memref<10112x128xf32, #tpu.memory_space<vmem_shared>>
      tpu.enqueue_indirect_dma source(%arg17 : memref<88x128xf32, #tpu.memory_space<vmem>>) target(%dma_start3A_220 : memref<10112x128xf32, #tpu.memory_space<vmem_shared>>) offsets(%arg13 : memref<88xi32, #tpu.memory_space<vmem>>) semaphore(%arg28 : memref<!tpu.dma_semaphore, #tpu.memory_space<semaphore_mem>>) {add = true}
      %dma_start3A_221 = arith.constant 0 : i32
      %dma_start3A_222 = arith.constant 0 : i32
      %dma_start3A_223 = tpu.memref_slice %arg20[%dma_start3A_221, %dma_start3A_222] : memref<10112x128xf32, #tpu.memory_space<vmem_shared>> -> memref<10112x128xf32, #tpu.memory_space<vmem_shared>>
      tpu.enqueue_indirect_dma source(%arg19 : memref<88x128xf32, #tpu.memory_space<vmem>>) target(%dma_start3A_223 : memref<10112x128xf32, #tpu.memory_space<vmem_shared>>) offsets(%arg13 : memref<88xi32, #tpu.memory_space<vmem>>) semaphore(%arg28 : memref<!tpu.dma_semaphore, #tpu.memory_space<semaphore_mem>>) {add = true}
      %add3A_224 = arith.constant 3 : i32
      %add3A_225 = arith.addi %add3A_173, %add3A_224 : i32
      %add3A_226 = arith.addi %select_n3A, %add3A_225 : i32
      %mul3A_227 = arith.constant 88 : i32
      %mul3A_228 = arith.muli %add3A_226, %mul3A_227 : i32
      %dma_start3A_229 = tpu.memref_slice %arg3[%mul3A_228] : memref<330176xi32, #tpu.memory_space<hbm>> -> memref<88xi32, #tpu.memory_space<hbm>>
      %dma_start3A_230 = tpu.memref_slice %arg3[%mul3A_228] : memref<330176xi32, #tpu.memory_space<hbm>> -> memref<88xi32, #tpu.memory_space<hbm>>
      tpu.enqueue_dma source(%dma_start3A_230 : memref<88xi32, #tpu.memory_space<hbm>>) target(%arg8 : memref<88xi32, #tpu.memory_space<vmem>>) target_semaphore(%arg21 : memref<!tpu.dma_semaphore, #tpu.memory_space<semaphore_mem>>)
      %add3A_231 = arith.addi %select_n3A, %add3A_225 : i32
      %mul3A_232 = arith.constant 88 : i32
      %mul3A_233 = arith.muli %add3A_231, %mul3A_232 : i32
      %dma_start3A_234 = tpu.memref_slice %arg4[%mul3A_233] : memref<330176xi32, #tpu.memory_space<hbm>> -> memref<88xi32, #tpu.memory_space<hbm>>
      %dma_start3A_235 = tpu.memref_slice %arg4[%mul3A_233] : memref<330176xi32, #tpu.memory_space<hbm>> -> memref<88xi32, #tpu.memory_space<hbm>>
      tpu.enqueue_dma source(%dma_start3A_235 : memref<88xi32, #tpu.memory_space<hbm>>) target(%arg12 : memref<88xi32, #tpu.memory_space<vmem>>) target_semaphore(%arg21 : memref<!tpu.dma_semaphore, #tpu.memory_space<semaphore_mem>>)
      %add3A_236 = arith.constant 1 : i32
      %add3A_237 = arith.addi %add3A_171, %add3A_236 : i32
      %dma_wait3A_238 = arith.constant 0 : i32
      %dma_wait3A_239 = tpu.memref_slice %arg3[%dma_wait3A_238] : memref<330176xi32, #tpu.memory_space<hbm>> -> memref<88xi32, #tpu.memory_space<hbm>>
      %dma_wait3A_240 = arith.constant 0 : i32
      %dma_wait3A_241 = tpu.memref_slice %arg3[%dma_wait3A_240] : memref<330176xi32, #tpu.memory_space<hbm>> -> memref<88xi32, #tpu.memory_space<hbm>>
      tpu.wait_dma2 semaphore(%arg24 : memref<!tpu.dma_semaphore, #tpu.memory_space<semaphore_mem>>) src(%dma_wait3A_241 : memref<88xi32, #tpu.memory_space<hbm>>) dst(%arg11 : memref<88xi32, #tpu.memory_space<vmem>>)
      %dma_wait3A_242 = arith.constant 0 : i32
      %dma_wait3A_243 = tpu.memref_slice %arg3[%dma_wait3A_242] : memref<330176xi32, #tpu.memory_space<hbm>> -> memref<88xi32, #tpu.memory_space<hbm>>
      %dma_wait3A_244 = arith.constant 0 : i32
      %dma_wait3A_245 = tpu.memref_slice %arg3[%dma_wait3A_244] : memref<330176xi32, #tpu.memory_space<hbm>> -> memref<88xi32, #tpu.memory_space<hbm>>
      tpu.wait_dma2 semaphore(%arg24 : memref<!tpu.dma_semaphore, #tpu.memory_space<semaphore_mem>>) src(%dma_wait3A_245 : memref<88xi32, #tpu.memory_space<hbm>>) dst(%arg15 : memref<88xi32, #tpu.memory_space<vmem>>)
      %dma_wait3A_246 = arith.constant 0 : i32
      %dma_wait3A_247 = arith.constant 0 : i32
      %dma_wait3A_248 = tpu.memref_slice %arg5[%dma_wait3A_246, %dma_wait3A_247] : memref<330176x128xf32, #tpu.memory_space<hbm>> -> memref<88x128xf32, #tpu.memory_space<hbm>>
      %dma_wait3A_249 = arith.constant 0 : i32
      %dma_wait3A_250 = arith.constant 0 : i32
      %dma_wait3A_251 = tpu.memref_slice %arg5[%dma_wait3A_249, %dma_wait3A_250] : memref<330176x128xf32, #tpu.memory_space<hbm>> -> memref<88x128xf32, #tpu.memory_space<hbm>>
      tpu.wait_dma2 semaphore(%arg28 : memref<!tpu.dma_semaphore, #tpu.memory_space<semaphore_mem>>) src(%dma_wait3A_251 : memref<88x128xf32, #tpu.memory_space<hbm>>) dst(%arg17 : memref<88x128xf32, #tpu.memory_space<vmem>>)
      %dma_wait3A_252 = arith.constant 0 : i32
      %dma_wait3A_253 = arith.constant 0 : i32
      %dma_wait3A_254 = tpu.memref_slice %arg5[%dma_wait3A_252, %dma_wait3A_253] : memref<330176x128xf32, #tpu.memory_space<hbm>> -> memref<88x128xf32, #tpu.memory_space<hbm>>
      %dma_wait3A_255 = arith.constant 0 : i32
      %dma_wait3A_256 = arith.constant 0 : i32
      %dma_wait3A_257 = tpu.memref_slice %arg5[%dma_wait3A_255, %dma_wait3A_256] : memref<330176x128xf32, #tpu.memory_space<hbm>> -> memref<88x128xf32, #tpu.memory_space<hbm>>
      tpu.wait_dma2 semaphore(%arg28 : memref<!tpu.dma_semaphore, #tpu.memory_space<semaphore_mem>>) src(%dma_wait3A_257 : memref<88x128xf32, #tpu.memory_space<hbm>>) dst(%arg19 : memref<88x128xf32, #tpu.memory_space<vmem>>)
      %add3A_258 = arith.constant 1 : i32
      %add3A_259 = arith.addi %add3A_237, %add3A_258 : i32
      %dma_start3A_260 = arith.constant 0 : i32
      %dma_start3A_261 = arith.constant 0 : i32
      %dma_start3A_262 = tpu.memref_slice %arg2[%dma_start3A_260, %dma_start3A_261] : memref<10000x128xf32, #tpu.memory_space<hbm>> -> memref<10000x128xf32, #tpu.memory_space<hbm>>
      tpu.enqueue_indirect_dma source(%dma_start3A_262 : memref<10000x128xf32, #tpu.memory_space<hbm>>) target(%arg17 : memref<88x128xf32, #tpu.memory_space<vmem>>) offsets(%arg11 : memref<88xi32, #tpu.memory_space<vmem>>) semaphore(%arg26 : memref<!tpu.dma_semaphore, #tpu.memory_space<semaphore_mem>>)
      %add3A_263 = arith.addi %select_n3A, %add3A_259 : i32
      %mul3A_264 = arith.constant 88 : i32
      %mul3A_265 = arith.muli %add3A_263, %mul3A_264 : i32
      %dma_start3A_266 = arith.constant 0 : i32
      %dma_start3A_267 = tpu.memref_slice %arg5[%mul3A_265, %dma_start3A_266] : memref<330176x128xf32, #tpu.memory_space<hbm>> -> memref<88x128xf32, #tpu.memory_space<hbm>>
      %dma_start3A_268 = arith.constant 0 : i32
      %dma_start3A_269 = tpu.memref_slice %arg5[%mul3A_265, %dma_start3A_268] : memref<330176x128xf32, #tpu.memory_space<hbm>> -> memref<88x128xf32, #tpu.memory_space<hbm>>
      tpu.enqueue_dma source(%dma_start3A_269 : memref<88x128xf32, #tpu.memory_space<hbm>>) target(%arg19 : memref<88x128xf32, #tpu.memory_space<vmem>>) target_semaphore(%arg26 : memref<!tpu.dma_semaphore, #tpu.memory_space<semaphore_mem>>)
      %dma_wait3A_270 = arith.constant 0 : i32
      %dma_wait3A_271 = arith.constant 0 : i32
      %dma_wait3A_272 = tpu.memref_slice %arg5[%dma_wait3A_270, %dma_wait3A_271] : memref<330176x128xf32, #tpu.memory_space<hbm>> -> memref<88x128xf32, #tpu.memory_space<hbm>>
      %dma_wait3A_273 = arith.constant 0 : i32
      %dma_wait3A_274 = arith.constant 0 : i32
      %dma_wait3A_275 = tpu.memref_slice %arg5[%dma_wait3A_273, %dma_wait3A_274] : memref<330176x128xf32, #tpu.memory_space<hbm>> -> memref<88x128xf32, #tpu.memory_space<hbm>>
      tpu.wait_dma2 semaphore(%arg25 : memref<!tpu.dma_semaphore, #tpu.memory_space<semaphore_mem>>) src(%dma_wait3A_275 : memref<88x128xf32, #tpu.memory_space<hbm>>) dst(%arg16 : memref<88x128xf32, #tpu.memory_space<vmem>>)
      %dma_wait3A_276 = arith.constant 0 : i32
      %dma_wait3A_277 = arith.constant 0 : i32
      %dma_wait3A_278 = tpu.memref_slice %arg5[%dma_wait3A_276, %dma_wait3A_277] : memref<330176x128xf32, #tpu.memory_space<hbm>> -> memref<88x128xf32, #tpu.memory_space<hbm>>
      %dma_wait3A_279 = arith.constant 0 : i32
      %dma_wait3A_280 = arith.constant 0 : i32
      %dma_wait3A_281 = tpu.memref_slice %arg5[%dma_wait3A_279, %dma_wait3A_280] : memref<330176x128xf32, #tpu.memory_space<hbm>> -> memref<88x128xf32, #tpu.memory_space<hbm>>
      tpu.wait_dma2 semaphore(%arg25 : memref<!tpu.dma_semaphore, #tpu.memory_space<semaphore_mem>>) src(%dma_wait3A_281 : memref<88x128xf32, #tpu.memory_space<hbm>>) dst(%arg18 : memref<88x128xf32, #tpu.memory_space<vmem>>)
      %dma_start3A_282 = arith.constant 0 : i32
      %dma_start3A_283 = arith.constant 0 : i32
      %dma_start3A_284 = tpu.memref_slice %arg20[%dma_start3A_282, %dma_start3A_283] : memref<10112x128xf32, #tpu.memory_space<vmem_shared>> -> memref<10112x128xf32, #tpu.memory_space<vmem_shared>>
      tpu.enqueue_indirect_dma source(%arg16 : memref<88x128xf32, #tpu.memory_space<vmem>>) target(%dma_start3A_284 : memref<10112x128xf32, #tpu.memory_space<vmem_shared>>) offsets(%arg14 : memref<88xi32, #tpu.memory_space<vmem>>) semaphore(%arg27 : memref<!tpu.dma_semaphore, #tpu.memory_space<semaphore_mem>>) {add = true}
      %dma_start3A_285 = arith.constant 0 : i32
      %dma_start3A_286 = arith.constant 0 : i32
      %dma_start3A_287 = tpu.memref_slice %arg20[%dma_start3A_285, %dma_start3A_286] : memref<10112x128xf32, #tpu.memory_space<vmem_shared>> -> memref<10112x128xf32, #tpu.memory_space<vmem_shared>>
      tpu.enqueue_indirect_dma source(%arg18 : memref<88x128xf32, #tpu.memory_space<vmem>>) target(%dma_start3A_287 : memref<10112x128xf32, #tpu.memory_space<vmem_shared>>) offsets(%arg14 : memref<88xi32, #tpu.memory_space<vmem>>) semaphore(%arg27 : memref<!tpu.dma_semaphore, #tpu.memory_space<semaphore_mem>>) {add = true}
      %add3A_288 = arith.constant 3 : i32
      %add3A_289 = arith.addi %add3A_237, %add3A_288 : i32
      %add3A_290 = arith.addi %select_n3A, %add3A_289 : i32
      %mul3A_291 = arith.constant 88 : i32
      %mul3A_292 = arith.muli %add3A_290, %mul3A_291 : i32
      %dma_start3A_293 = tpu.memref_slice %arg3[%mul3A_292] : memref<330176xi32, #tpu.memory_space<hbm>> -> memref<88xi32, #tpu.memory_space<hbm>>
      %dma_start3A_294 = tpu.memref_slice %arg3[%mul3A_292] : memref<330176xi32, #tpu.memory_space<hbm>> -> memref<88xi32, #tpu.memory_space<hbm>>
      tpu.enqueue_dma source(%dma_start3A_294 : memref<88xi32, #tpu.memory_space<hbm>>) target(%arg9 : memref<88xi32, #tpu.memory_space<vmem>>) target_semaphore(%arg22 : memref<!tpu.dma_semaphore, #tpu.memory_space<semaphore_mem>>)
      %add3A_295 = arith.addi %select_n3A, %add3A_289 : i32
      %mul3A_296 = arith.constant 88 : i32
      %mul3A_297 = arith.muli %add3A_295, %mul3A_296 : i32
      %dma_start3A_298 = tpu.memref_slice %arg4[%mul3A_297] : memref<330176xi32, #tpu.memory_space<hbm>> -> memref<88xi32, #tpu.memory_space<hbm>>
      %dma_start3A_299 = tpu.memref_slice %arg4[%mul3A_297] : memref<330176xi32, #tpu.memory_space<hbm>> -> memref<88xi32, #tpu.memory_space<hbm>>
      tpu.enqueue_dma source(%dma_start3A_299 : memref<88xi32, #tpu.memory_space<hbm>>) target(%arg13 : memref<88xi32, #tpu.memory_space<vmem>>) target_semaphore(%arg22 : memref<!tpu.dma_semaphore, #tpu.memory_space<semaphore_mem>>)
      %add3A_300 = arith.constant 2 : i32
      %add3A_301 = arith.addi %add3A_171, %add3A_300 : i32
      %dma_wait3A_302 = arith.constant 0 : i32
      %dma_wait3A_303 = tpu.memref_slice %arg3[%dma_wait3A_302] : memref<330176xi32, #tpu.memory_space<hbm>> -> memref<88xi32, #tpu.memory_space<hbm>>
      %dma_wait3A_304 = arith.constant 0 : i32
      %dma_wait3A_305 = tpu.memref_slice %arg3[%dma_wait3A_304] : memref<330176xi32, #tpu.memory_space<hbm>> -> memref<88xi32, #tpu.memory_space<hbm>>
      tpu.wait_dma2 semaphore(%arg21 : memref<!tpu.dma_semaphore, #tpu.memory_space<semaphore_mem>>) src(%dma_wait3A_305 : memref<88xi32, #tpu.memory_space<hbm>>) dst(%arg8 : memref<88xi32, #tpu.memory_space<vmem>>)
      %dma_wait3A_306 = arith.constant 0 : i32
      %dma_wait3A_307 = tpu.memref_slice %arg3[%dma_wait3A_306] : memref<330176xi32, #tpu.memory_space<hbm>> -> memref<88xi32, #tpu.memory_space<hbm>>
      %dma_wait3A_308 = arith.constant 0 : i32
      %dma_wait3A_309 = tpu.memref_slice %arg3[%dma_wait3A_308] : memref<330176xi32, #tpu.memory_space<hbm>> -> memref<88xi32, #tpu.memory_space<hbm>>
      tpu.wait_dma2 semaphore(%arg21 : memref<!tpu.dma_semaphore, #tpu.memory_space<semaphore_mem>>) src(%dma_wait3A_309 : memref<88xi32, #tpu.memory_space<hbm>>) dst(%arg12 : memref<88xi32, #tpu.memory_space<vmem>>)
      %dma_wait3A_310 = arith.constant 0 : i32
      %dma_wait3A_311 = arith.constant 0 : i32
      %dma_wait3A_312 = tpu.memref_slice %arg5[%dma_wait3A_310, %dma_wait3A_311] : memref<330176x128xf32, #tpu.memory_space<hbm>> -> memref<88x128xf32, #tpu.memory_space<hbm>>
      %dma_wait3A_313 = arith.constant 0 : i32
      %dma_wait3A_314 = arith.constant 0 : i32
      %dma_wait3A_315 = tpu.memref_slice %arg5[%dma_wait3A_313, %dma_wait3A_314] : memref<330176x128xf32, #tpu.memory_space<hbm>> -> memref<88x128xf32, #tpu.memory_space<hbm>>
      tpu.wait_dma2 semaphore(%arg27 : memref<!tpu.dma_semaphore, #tpu.memory_space<semaphore_mem>>) src(%dma_wait3A_315 : memref<88x128xf32, #tpu.memory_space<hbm>>) dst(%arg16 : memref<88x128xf32, #tpu.memory_space<vmem>>)
      %dma_wait3A_316 = arith.constant 0 : i32
      %dma_wait3A_317 = arith.constant 0 : i32
      %dma_wait3A_318 = tpu.memref_slice %arg5[%dma_wait3A_316, %dma_wait3A_317] : memref<330176x128xf32, #tpu.memory_space<hbm>> -> memref<88x128xf32, #tpu.memory_space<hbm>>
      %dma_wait3A_319 = arith.constant 0 : i32
      %dma_wait3A_320 = arith.constant 0 : i32
      %dma_wait3A_321 = tpu.memref_slice %arg5[%dma_wait3A_319, %dma_wait3A_320] : memref<330176x128xf32, #tpu.memory_space<hbm>> -> memref<88x128xf32, #tpu.memory_space<hbm>>
      tpu.wait_dma2 semaphore(%arg27 : memref<!tpu.dma_semaphore, #tpu.memory_space<semaphore_mem>>) src(%dma_wait3A_321 : memref<88x128xf32, #tpu.memory_space<hbm>>) dst(%arg18 : memref<88x128xf32, #tpu.memory_space<vmem>>)
      %add3A_322 = arith.constant 1 : i32
      %add3A_323 = arith.addi %add3A_301, %add3A_322 : i32
      %dma_start3A_324 = arith.constant 0 : i32
      %dma_start3A_325 = arith.constant 0 : i32
      %dma_start3A_326 = tpu.memref_slice %arg2[%dma_start3A_324, %dma_start3A_325] : memref<10000x128xf32, #tpu.memory_space<hbm>> -> memref<10000x128xf32, #tpu.memory_space<hbm>>
      tpu.enqueue_indirect_dma source(%dma_start3A_326 : memref<10000x128xf32, #tpu.memory_space<hbm>>) target(%arg16 : memref<88x128xf32, #tpu.memory_space<vmem>>) offsets(%arg8 : memref<88xi32, #tpu.memory_space<vmem>>) semaphore(%arg25 : memref<!tpu.dma_semaphore, #tpu.memory_space<semaphore_mem>>)
      %add3A_327 = arith.addi %select_n3A, %add3A_323 : i32
      %mul3A_328 = arith.constant 88 : i32
      %mul3A_329 = arith.muli %add3A_327, %mul3A_328 : i32
      %dma_start3A_330 = arith.constant 0 : i32
      %dma_start3A_331 = tpu.memref_slice %arg5[%mul3A_329, %dma_start3A_330] : memref<330176x128xf32, #tpu.memory_space<hbm>> -> memref<88x128xf32, #tpu.memory_space<hbm>>
      %dma_start3A_332 = arith.constant 0 : i32
      %dma_start3A_333 = tpu.memref_slice %arg5[%mul3A_329, %dma_start3A_332] : memref<330176x128xf32, #tpu.memory_space<hbm>> -> memref<88x128xf32, #tpu.memory_space<hbm>>
      tpu.enqueue_dma source(%dma_start3A_333 : memref<88x128xf32, #tpu.memory_space<hbm>>) target(%arg18 : memref<88x128xf32, #tpu.memory_space<vmem>>) target_semaphore(%arg25 : memref<!tpu.dma_semaphore, #tpu.memory_space<semaphore_mem>>)
      %dma_wait3A_334 = arith.constant 0 : i32
      %dma_wait3A_335 = arith.constant 0 : i32
      %dma_wait3A_336 = tpu.memref_slice %arg5[%dma_wait3A_334, %dma_wait3A_335] : memref<330176x128xf32, #tpu.memory_space<hbm>> -> memref<88x128xf32, #tpu.memory_space<hbm>>
      %dma_wait3A_337 = arith.constant 0 : i32
      %dma_wait3A_338 = arith.constant 0 : i32
      %dma_wait3A_339 = tpu.memref_slice %arg5[%dma_wait3A_337, %dma_wait3A_338] : memref<330176x128xf32, #tpu.memory_space<hbm>> -> memref<88x128xf32, #tpu.memory_space<hbm>>
      tpu.wait_dma2 semaphore(%arg26 : memref<!tpu.dma_semaphore, #tpu.memory_space<semaphore_mem>>) src(%dma_wait3A_339 : memref<88x128xf32, #tpu.memory_space<hbm>>) dst(%arg17 : memref<88x128xf32, #tpu.memory_space<vmem>>)
      %dma_wait3A_340 = arith.constant 0 : i32
      %dma_wait3A_341 = arith.constant 0 : i32
      %dma_wait3A_342 = tpu.memref_slice %arg5[%dma_wait3A_340, %dma_wait3A_341] : memref<330176x128xf32, #tpu.memory_space<hbm>> -> memref<88x128xf32, #tpu.memory_space<hbm>>
      %dma_wait3A_343 = arith.constant 0 : i32
      %dma_wait3A_344 = arith.constant 0 : i32
      %dma_wait3A_345 = tpu.memref_slice %arg5[%dma_wait3A_343, %dma_wait3A_344] : memref<330176x128xf32, #tpu.memory_space<hbm>> -> memref<88x128xf32, #tpu.memory_space<hbm>>
      tpu.wait_dma2 semaphore(%arg26 : memref<!tpu.dma_semaphore, #tpu.memory_space<semaphore_mem>>) src(%dma_wait3A_345 : memref<88x128xf32, #tpu.memory_space<hbm>>) dst(%arg19 : memref<88x128xf32, #tpu.memory_space<vmem>>)
      %dma_start3A_346 = arith.constant 0 : i32
      %dma_start3A_347 = arith.constant 0 : i32
      %dma_start3A_348 = tpu.memref_slice %arg20[%dma_start3A_346, %dma_start3A_347] : memref<10112x128xf32, #tpu.memory_space<vmem_shared>> -> memref<10112x128xf32, #tpu.memory_space<vmem_shared>>
      tpu.enqueue_indirect_dma source(%arg17 : memref<88x128xf32, #tpu.memory_space<vmem>>) target(%dma_start3A_348 : memref<10112x128xf32, #tpu.memory_space<vmem_shared>>) offsets(%arg15 : memref<88xi32, #tpu.memory_space<vmem>>) semaphore(%arg28 : memref<!tpu.dma_semaphore, #tpu.memory_space<semaphore_mem>>) {add = true}
      %dma_start3A_349 = arith.constant 0 : i32
      %dma_start3A_350 = arith.constant 0 : i32
      %dma_start3A_351 = tpu.memref_slice %arg20[%dma_start3A_349, %dma_start3A_350] : memref<10112x128xf32, #tpu.memory_space<vmem_shared>> -> memref<10112x128xf32, #tpu.memory_space<vmem_shared>>
      tpu.enqueue_indirect_dma source(%arg19 : memref<88x128xf32, #tpu.memory_space<vmem>>) target(%dma_start3A_351 : memref<10112x128xf32, #tpu.memory_space<vmem_shared>>) offsets(%arg15 : memref<88xi32, #tpu.memory_space<vmem>>) semaphore(%arg28 : memref<!tpu.dma_semaphore, #tpu.memory_space<semaphore_mem>>) {add = true}
      %add3A_352 = arith.constant 3 : i32
      %add3A_353 = arith.addi %add3A_301, %add3A_352 : i32
      %add3A_354 = arith.addi %select_n3A, %add3A_353 : i32
      %mul3A_355 = arith.constant 88 : i32
      %mul3A_356 = arith.muli %add3A_354, %mul3A_355 : i32
      %dma_start3A_357 = tpu.memref_slice %arg3[%mul3A_356] : memref<330176xi32, #tpu.memory_space<hbm>> -> memref<88xi32, #tpu.memory_space<hbm>>
      %dma_start3A_358 = tpu.memref_slice %arg3[%mul3A_356] : memref<330176xi32, #tpu.memory_space<hbm>> -> memref<88xi32, #tpu.memory_space<hbm>>
      tpu.enqueue_dma source(%dma_start3A_358 : memref<88xi32, #tpu.memory_space<hbm>>) target(%arg10 : memref<88xi32, #tpu.memory_space<vmem>>) target_semaphore(%arg23 : memref<!tpu.dma_semaphore, #tpu.memory_space<semaphore_mem>>)
      %add3A_359 = arith.addi %select_n3A, %add3A_353 : i32
      %mul3A_360 = arith.constant 88 : i32
      %mul3A_361 = arith.muli %add3A_359, %mul3A_360 : i32
      %dma_start3A_362 = tpu.memref_slice %arg4[%mul3A_361] : memref<330176xi32, #tpu.memory_space<hbm>> -> memref<88xi32, #tpu.memory_space<hbm>>
      %dma_start3A_363 = tpu.memref_slice %arg4[%mul3A_361] : memref<330176xi32, #tpu.memory_space<hbm>> -> memref<88xi32, #tpu.memory_space<hbm>>
      tpu.enqueue_dma source(%dma_start3A_363 : memref<88xi32, #tpu.memory_space<hbm>>) target(%arg14 : memref<88xi32, #tpu.memory_space<vmem>>) target_semaphore(%arg23 : memref<!tpu.dma_semaphore, #tpu.memory_space<semaphore_mem>>)
      %add3A_364 = arith.constant 3 : i32
      %add3A_365 = arith.addi %add3A_171, %add3A_364 : i32
      %dma_wait3A_366 = arith.constant 0 : i32
      %dma_wait3A_367 = tpu.memref_slice %arg3[%dma_wait3A_366] : memref<330176xi32, #tpu.memory_space<hbm>> -> memref<88xi32, #tpu.memory_space<hbm>>
      %dma_wait3A_368 = arith.constant 0 : i32
      %dma_wait3A_369 = tpu.memref_slice %arg3[%dma_wait3A_368] : memref<330176xi32, #tpu.memory_space<hbm>> -> memref<88xi32, #tpu.memory_space<hbm>>
      tpu.wait_dma2 semaphore(%arg22 : memref<!tpu.dma_semaphore, #tpu.memory_space<semaphore_mem>>) src(%dma_wait3A_369 : memref<88xi32, #tpu.memory_space<hbm>>) dst(%arg9 : memref<88xi32, #tpu.memory_space<vmem>>)
      %dma_wait3A_370 = arith.constant 0 : i32
      %dma_wait3A_371 = tpu.memref_slice %arg3[%dma_wait3A_370] : memref<330176xi32, #tpu.memory_space<hbm>> -> memref<88xi32, #tpu.memory_space<hbm>>
      %dma_wait3A_372 = arith.constant 0 : i32
      %dma_wait3A_373 = tpu.memref_slice %arg3[%dma_wait3A_372] : memref<330176xi32, #tpu.memory_space<hbm>> -> memref<88xi32, #tpu.memory_space<hbm>>
      tpu.wait_dma2 semaphore(%arg22 : memref<!tpu.dma_semaphore, #tpu.memory_space<semaphore_mem>>) src(%dma_wait3A_373 : memref<88xi32, #tpu.memory_space<hbm>>) dst(%arg13 : memref<88xi32, #tpu.memory_space<vmem>>)
      %dma_wait3A_374 = arith.constant 0 : i32
      %dma_wait3A_375 = arith.constant 0 : i32
      %dma_wait3A_376 = tpu.memref_slice %arg5[%dma_wait3A_374, %dma_wait3A_375] : memref<330176x128xf32, #tpu.memory_space<hbm>> -> memref<88x128xf32, #tpu.memory_space<hbm>>
      %dma_wait3A_377 = arith.constant 0 : i32
      %dma_wait3A_378 = arith.constant 0 : i32
      %dma_wait3A_379 = tpu.memref_slice %arg5[%dma_wait3A_377, %dma_wait3A_378] : memref<330176x128xf32, #tpu.memory_space<hbm>> -> memref<88x128xf32, #tpu.memory_space<hbm>>
      tpu.wait_dma2 semaphore(%arg28 : memref<!tpu.dma_semaphore, #tpu.memory_space<semaphore_mem>>) src(%dma_wait3A_379 : memref<88x128xf32, #tpu.memory_space<hbm>>) dst(%arg17 : memref<88x128xf32, #tpu.memory_space<vmem>>)
      %dma_wait3A_380 = arith.constant 0 : i32
      %dma_wait3A_381 = arith.constant 0 : i32
      %dma_wait3A_382 = tpu.memref_slice %arg5[%dma_wait3A_380, %dma_wait3A_381] : memref<330176x128xf32, #tpu.memory_space<hbm>> -> memref<88x128xf32, #tpu.memory_space<hbm>>
      %dma_wait3A_383 = arith.constant 0 : i32
      %dma_wait3A_384 = arith.constant 0 : i32
      %dma_wait3A_385 = tpu.memref_slice %arg5[%dma_wait3A_383, %dma_wait3A_384] : memref<330176x128xf32, #tpu.memory_space<hbm>> -> memref<88x128xf32, #tpu.memory_space<hbm>>
      tpu.wait_dma2 semaphore(%arg28 : memref<!tpu.dma_semaphore, #tpu.memory_space<semaphore_mem>>) src(%dma_wait3A_385 : memref<88x128xf32, #tpu.memory_space<hbm>>) dst(%arg19 : memref<88x128xf32, #tpu.memory_space<vmem>>)
      %add3A_386 = arith.constant 1 : i32
      %add3A_387 = arith.addi %add3A_365, %add3A_386 : i32
      %dma_start3A_388 = arith.constant 0 : i32
      %dma_start3A_389 = arith.constant 0 : i32
      %dma_start3A_390 = tpu.memref_slice %arg2[%dma_start3A_388, %dma_start3A_389] : memref<10000x128xf32, #tpu.memory_space<hbm>> -> memref<10000x128xf32, #tpu.memory_space<hbm>>
      tpu.enqueue_indirect_dma source(%dma_start3A_390 : memref<10000x128xf32, #tpu.memory_space<hbm>>) target(%arg17 : memref<88x128xf32, #tpu.memory_space<vmem>>) offsets(%arg9 : memref<88xi32, #tpu.memory_space<vmem>>) semaphore(%arg26 : memref<!tpu.dma_semaphore, #tpu.memory_space<semaphore_mem>>)
      %add3A_391 = arith.addi %select_n3A, %add3A_387 : i32
      %mul3A_392 = arith.constant 88 : i32
      %mul3A_393 = arith.muli %add3A_391, %mul3A_392 : i32
      %dma_start3A_394 = arith.constant 0 : i32
      %dma_start3A_395 = tpu.memref_slice %arg5[%mul3A_393, %dma_start3A_394] : memref<330176x128xf32, #tpu.memory_space<hbm>> -> memref<88x128xf32, #tpu.memory_space<hbm>>
      %dma_start3A_396 = arith.constant 0 : i32
      %dma_start3A_397 = tpu.memref_slice %arg5[%mul3A_393, %dma_start3A_396] : memref<330176x128xf32, #tpu.memory_space<hbm>> -> memref<88x128xf32, #tpu.memory_space<hbm>>
      tpu.enqueue_dma source(%dma_start3A_397 : memref<88x128xf32, #tpu.memory_space<hbm>>) target(%arg19 : memref<88x128xf32, #tpu.memory_space<vmem>>) target_semaphore(%arg26 : memref<!tpu.dma_semaphore, #tpu.memory_space<semaphore_mem>>)
      %dma_wait3A_398 = arith.constant 0 : i32
      %dma_wait3A_399 = arith.constant 0 : i32
      %dma_wait3A_400 = tpu.memref_slice %arg5[%dma_wait3A_398, %dma_wait3A_399] : memref<330176x128xf32, #tpu.memory_space<hbm>> -> memref<88x128xf32, #tpu.memory_space<hbm>>
      %dma_wait3A_401 = arith.constant 0 : i32
      %dma_wait3A_402 = arith.constant 0 : i32
      %dma_wait3A_403 = tpu.memref_slice %arg5[%dma_wait3A_401, %dma_wait3A_402] : memref<330176x128xf32, #tpu.memory_space<hbm>> -> memref<88x128xf32, #tpu.memory_space<hbm>>
      tpu.wait_dma2 semaphore(%arg25 : memref<!tpu.dma_semaphore, #tpu.memory_space<semaphore_mem>>) src(%dma_wait3A_403 : memref<88x128xf32, #tpu.memory_space<hbm>>) dst(%arg16 : memref<88x128xf32, #tpu.memory_space<vmem>>)
      %dma_wait3A_404 = arith.constant 0 : i32
      %dma_wait3A_405 = arith.constant 0 : i32
      %dma_wait3A_406 = tpu.memref_slice %arg5[%dma_wait3A_404, %dma_wait3A_405] : memref<330176x128xf32, #tpu.memory_space<hbm>> -> memref<88x128xf32, #tpu.memory_space<hbm>>
      %dma_wait3A_407 = arith.constant 0 : i32
      %dma_wait3A_408 = arith.constant 0 : i32
      %dma_wait3A_409 = tpu.memref_slice %arg5[%dma_wait3A_407, %dma_wait3A_408] : memref<330176x128xf32, #tpu.memory_space<hbm>> -> memref<88x128xf32, #tpu.memory_space<hbm>>
      tpu.wait_dma2 semaphore(%arg25 : memref<!tpu.dma_semaphore, #tpu.memory_space<semaphore_mem>>) src(%dma_wait3A_409 : memref<88x128xf32, #tpu.memory_space<hbm>>) dst(%arg18 : memref<88x128xf32, #tpu.memory_space<vmem>>)
      %dma_start3A_410 = arith.constant 0 : i32
      %dma_start3A_411 = arith.constant 0 : i32
      %dma_start3A_412 = tpu.memref_slice %arg20[%dma_start3A_410, %dma_start3A_411] : memref<10112x128xf32, #tpu.memory_space<vmem_shared>> -> memref<10112x128xf32, #tpu.memory_space<vmem_shared>>
      tpu.enqueue_indirect_dma source(%arg16 : memref<88x128xf32, #tpu.memory_space<vmem>>) target(%dma_start3A_412 : memref<10112x128xf32, #tpu.memory_space<vmem_shared>>) offsets(%arg12 : memref<88xi32, #tpu.memory_space<vmem>>) semaphore(%arg27 : memref<!tpu.dma_semaphore, #tpu.memory_space<semaphore_mem>>) {add = true}
      %dma_start3A_413 = arith.constant 0 : i32
      %dma_start3A_414 = arith.constant 0 : i32
      %dma_start3A_415 = tpu.memref_slice %arg20[%dma_start3A_413, %dma_start3A_414] : memref<10112x128xf32, #tpu.memory_space<vmem_shared>> -> memref<10112x128xf32, #tpu.memory_space<vmem_shared>>
      tpu.enqueue_indirect_dma source(%arg18 : memref<88x128xf32, #tpu.memory_space<vmem>>) target(%dma_start3A_415 : memref<10112x128xf32, #tpu.memory_space<vmem_shared>>) offsets(%arg12 : memref<88xi32, #tpu.memory_space<vmem>>) semaphore(%arg27 : memref<!tpu.dma_semaphore, #tpu.memory_space<semaphore_mem>>) {add = true}
      %add3A_416 = arith.constant 3 : i32
      %add3A_417 = arith.addi %add3A_365, %add3A_416 : i32
      %add3A_418 = arith.addi %select_n3A, %add3A_417 : i32
      %mul3A_419 = arith.constant 88 : i32
      %mul3A_420 = arith.muli %add3A_418, %mul3A_419 : i32
      %dma_start3A_421 = tpu.memref_slice %arg3[%mul3A_420] : memref<330176xi32, #tpu.memory_space<hbm>> -> memref<88xi32, #tpu.memory_space<hbm>>
      %dma_start3A_422 = tpu.memref_slice %arg3[%mul3A_420] : memref<330176xi32, #tpu.memory_space<hbm>> -> memref<88xi32, #tpu.memory_space<hbm>>
      tpu.enqueue_dma source(%dma_start3A_422 : memref<88xi32, #tpu.memory_space<hbm>>) target(%arg11 : memref<88xi32, #tpu.memory_space<vmem>>) target_semaphore(%arg24 : memref<!tpu.dma_semaphore, #tpu.memory_space<semaphore_mem>>)
      %add3A_423 = arith.addi %select_n3A, %add3A_417 : i32
      %mul3A_424 = arith.constant 88 : i32
      %mul3A_425 = arith.muli %add3A_423, %mul3A_424 : i32
      %dma_start3A_426 = tpu.memref_slice %arg4[%mul3A_425] : memref<330176xi32, #tpu.memory_space<hbm>> -> memref<88xi32, #tpu.memory_space<hbm>>
      %dma_start3A_427 = tpu.memref_slice %arg4[%mul3A_425] : memref<330176xi32, #tpu.memory_space<hbm>> -> memref<88xi32, #tpu.memory_space<hbm>>
      tpu.enqueue_dma source(%dma_start3A_427 : memref<88xi32, #tpu.memory_space<hbm>>) target(%arg15 : memref<88xi32, #tpu.memory_space<vmem>>) target_semaphore(%arg24 : memref<!tpu.dma_semaphore, #tpu.memory_space<semaphore_mem>>)
    }
    %dma_wait3A_122 = arith.constant 0 : i32
    %dma_wait3A_123 = arith.constant 0 : i32
    %dma_wait3A_124 = tpu.memref_slice %arg5[%dma_wait3A_122, %dma_wait3A_123] : memref<330176x128xf32, #tpu.memory_space<hbm>> -> memref<88x128xf32, #tpu.memory_space<hbm>>
    %dma_wait3A_125 = arith.constant 0 : i32
    %dma_wait3A_126 = arith.constant 0 : i32
    %dma_wait3A_127 = tpu.memref_slice %arg5[%dma_wait3A_125, %dma_wait3A_126] : memref<330176x128xf32, #tpu.memory_space<hbm>> -> memref<88x128xf32, #tpu.memory_space<hbm>>
    tpu.wait_dma2 semaphore(%arg27 : memref<!tpu.dma_semaphore, #tpu.memory_space<semaphore_mem>>) src(%dma_wait3A_127 : memref<88x128xf32, #tpu.memory_space<hbm>>) dst(%arg16 : memref<88x128xf32, #tpu.memory_space<vmem>>)
    %dma_wait3A_128 = arith.constant 0 : i32
    %dma_wait3A_129 = arith.constant 0 : i32
    %dma_wait3A_130 = tpu.memref_slice %arg5[%dma_wait3A_128, %dma_wait3A_129] : memref<330176x128xf32, #tpu.memory_space<hbm>> -> memref<88x128xf32, #tpu.memory_space<hbm>>
    %dma_wait3A_131 = arith.constant 0 : i32
    %dma_wait3A_132 = arith.constant 0 : i32
    %dma_wait3A_133 = tpu.memref_slice %arg5[%dma_wait3A_131, %dma_wait3A_132] : memref<330176x128xf32, #tpu.memory_space<hbm>> -> memref<88x128xf32, #tpu.memory_space<hbm>>
    tpu.wait_dma2 semaphore(%arg27 : memref<!tpu.dma_semaphore, #tpu.memory_space<semaphore_mem>>) src(%dma_wait3A_133 : memref<88x128xf32, #tpu.memory_space<hbm>>) dst(%arg18 : memref<88x128xf32, #tpu.memory_space<vmem>>)
    %dma_wait3A_134 = arith.constant 0 : i32
    %dma_wait3A_135 = arith.constant 0 : i32
    %dma_wait3A_136 = tpu.memref_slice %arg5[%dma_wait3A_134, %dma_wait3A_135] : memref<330176x128xf32, #tpu.memory_space<hbm>> -> memref<88x128xf32, #tpu.memory_space<hbm>>
    %dma_wait3A_137 = arith.constant 0 : i32
    %dma_wait3A_138 = arith.constant 0 : i32
    %dma_wait3A_139 = tpu.memref_slice %arg5[%dma_wait3A_137, %dma_wait3A_138] : memref<330176x128xf32, #tpu.memory_space<hbm>> -> memref<88x128xf32, #tpu.memory_space<hbm>>
    tpu.wait_dma2 semaphore(%arg26 : memref<!tpu.dma_semaphore, #tpu.memory_space<semaphore_mem>>) src(%dma_wait3A_139 : memref<88x128xf32, #tpu.memory_space<hbm>>) dst(%arg17 : memref<88x128xf32, #tpu.memory_space<vmem>>)
    %dma_wait3A_140 = arith.constant 0 : i32
    %dma_wait3A_141 = arith.constant 0 : i32
    %dma_wait3A_142 = tpu.memref_slice %arg5[%dma_wait3A_140, %dma_wait3A_141] : memref<330176x128xf32, #tpu.memory_space<hbm>> -> memref<88x128xf32, #tpu.memory_space<hbm>>
    %dma_wait3A_143 = arith.constant 0 : i32
    %dma_wait3A_144 = arith.constant 0 : i32
    %dma_wait3A_145 = tpu.memref_slice %arg5[%dma_wait3A_143, %dma_wait3A_144] : memref<330176x128xf32, #tpu.memory_space<hbm>> -> memref<88x128xf32, #tpu.memory_space<hbm>>
    tpu.wait_dma2 semaphore(%arg26 : memref<!tpu.dma_semaphore, #tpu.memory_space<semaphore_mem>>) src(%dma_wait3A_145 : memref<88x128xf32, #tpu.memory_space<hbm>>) dst(%arg19 : memref<88x128xf32, #tpu.memory_space<vmem>>)
    %dma_wait3A_146 = arith.constant 0 : i32
    %dma_wait3A_147 = tpu.memref_slice %arg3[%dma_wait3A_146] : memref<330176xi32, #tpu.memory_space<hbm>> -> memref<88xi32, #tpu.memory_space<hbm>>
    %dma_wait3A_148 = arith.constant 0 : i32
    %dma_wait3A_149 = tpu.memref_slice %arg3[%dma_wait3A_148] : memref<330176xi32, #tpu.memory_space<hbm>> -> memref<88xi32, #tpu.memory_space<hbm>>
    tpu.wait_dma2 semaphore(%arg23 : memref<!tpu.dma_semaphore, #tpu.memory_space<semaphore_mem>>) src(%dma_wait3A_149 : memref<88xi32, #tpu.memory_space<hbm>>) dst(%arg10 : memref<88xi32, #tpu.memory_space<vmem>>)
    %dma_wait3A_150 = arith.constant 0 : i32
    %dma_wait3A_151 = tpu.memref_slice %arg3[%dma_wait3A_150] : memref<330176xi32, #tpu.memory_space<hbm>> -> memref<88xi32, #tpu.memory_space<hbm>>
    %dma_wait3A_152 = arith.constant 0 : i32
    %dma_wait3A_153 = tpu.memref_slice %arg3[%dma_wait3A_152] : memref<330176xi32, #tpu.memory_space<hbm>> -> memref<88xi32, #tpu.memory_space<hbm>>
    tpu.wait_dma2 semaphore(%arg23 : memref<!tpu.dma_semaphore, #tpu.memory_space<semaphore_mem>>) src(%dma_wait3A_153 : memref<88xi32, #tpu.memory_space<hbm>>) dst(%arg14 : memref<88xi32, #tpu.memory_space<vmem>>)
    %dma_wait3A_154 = arith.constant 0 : i32
    %dma_wait3A_155 = tpu.memref_slice %arg3[%dma_wait3A_154] : memref<330176xi32, #tpu.memory_space<hbm>> -> memref<88xi32, #tpu.memory_space<hbm>>
    %dma_wait3A_156 = arith.constant 0 : i32
    %dma_wait3A_157 = tpu.memref_slice %arg3[%dma_wait3A_156] : memref<330176xi32, #tpu.memory_space<hbm>> -> memref<88xi32, #tpu.memory_space<hbm>>
    tpu.wait_dma2 semaphore(%arg24 : memref<!tpu.dma_semaphore, #tpu.memory_space<semaphore_mem>>) src(%dma_wait3A_157 : memref<88xi32, #tpu.memory_space<hbm>>) dst(%arg11 : memref<88xi32, #tpu.memory_space<vmem>>)
    %dma_wait3A_158 = arith.constant 0 : i32
    %dma_wait3A_159 = tpu.memref_slice %arg3[%dma_wait3A_158] : memref<330176xi32, #tpu.memory_space<hbm>> -> memref<88xi32, #tpu.memory_space<hbm>>
    %dma_wait3A_160 = arith.constant 0 : i32
    %dma_wait3A_161 = tpu.memref_slice %arg3[%dma_wait3A_160] : memref<330176xi32, #tpu.memory_space<hbm>> -> memref<88xi32, #tpu.memory_space<hbm>>
    tpu.wait_dma2 semaphore(%arg24 : memref<!tpu.dma_semaphore, #tpu.memory_space<semaphore_mem>>) src(%dma_wait3A_161 : memref<88xi32, #tpu.memory_space<hbm>>) dst(%arg15 : memref<88xi32, #tpu.memory_space<vmem>>)
    %barrier3A_162 = arith.constant 0 : index
    tpu.barrier barrier_id(%barrier3A_162)
    %mul3A_163 = arith.constant 632 : i32
    %mul3A_164 = arith.muli %arg1, %mul3A_163 : i32
    %mul3A_165 = arith.constant 632 : i32
    %mul3A_166 = arith.muli %arg1, %mul3A_165 : i32
    "tpu.region"() ({
      %run_scoped3A = tpu.sem_alloc : memref<!tpu.dma_semaphore, #tpu.memory_space<semaphore_mem>>
      %dma_start3A_167 = arith.constant 0 : i32
      %dma_start3A_168 = tpu.memref_slice %arg7[%arg0, %mul3A_166, %dma_start3A_167] : memref<2x10112x128xf32, #tpu.memory_space<hbm>> -> memref<1x632x128xf32, #tpu.memory_space<hbm>>
      %dma_start3A_169 = tpu.memref_squeeze %dma_start3A_168 : memref<1x632x128xf32, #tpu.memory_space<hbm>> -> memref<632x128xf32, #tpu.memory_space<hbm>>
      %dma_start3A_170 = arith.constant 0 : i32
      %dma_start3A_171 = tpu.memref_slice %arg20[%mul3A_164, %dma_start3A_170] : memref<10112x128xf32, #tpu.memory_space<vmem_shared>> -> memref<632x128xf32, #tpu.memory_space<vmem_shared>>
      tpu.enqueue_dma source(%dma_start3A_171 : memref<632x128xf32, #tpu.memory_space<vmem_shared>>) target(%dma_start3A_169 : memref<632x128xf32, #tpu.memory_space<hbm>>) target_semaphore(%run_scoped3A : memref<!tpu.dma_semaphore, #tpu.memory_space<semaphore_mem>>)
      %dma_wait3A_172 = arith.constant 0 : i32
      %dma_wait3A_173 = tpu.memref_slice %arg7[%arg0, %mul3A_166, %dma_wait3A_172] : memref<2x10112x128xf32, #tpu.memory_space<hbm>> -> memref<1x632x128xf32, #tpu.memory_space<hbm>>
      %dma_wait3A_174 = tpu.memref_squeeze %dma_wait3A_173 : memref<1x632x128xf32, #tpu.memory_space<hbm>> -> memref<632x128xf32, #tpu.memory_space<hbm>>
      %dma_wait3A_175 = arith.constant 0 : i32
      %dma_wait3A_176 = tpu.memref_slice %arg20[%mul3A_164, %dma_wait3A_175] : memref<10112x128xf32, #tpu.memory_space<vmem_shared>> -> memref<632x128xf32, #tpu.memory_space<vmem_shared>>
      tpu.wait_dma2 semaphore(%run_scoped3A : memref<!tpu.dma_semaphore, #tpu.memory_space<semaphore_mem>>) src(%dma_wait3A_176 : memref<632x128xf32, #tpu.memory_space<vmem_shared>>) dst(%dma_wait3A_174 : memref<632x128xf32, #tpu.memory_space<hbm>>)
      tpu.yield
    }) : () -> ()
    return
  }
}

module attributes {stable_mosaic.version = 14 : i64} {
  func.func @_pre_r_body(%arg0: i32, %arg1: memref<5896x16xf32, #tpu.memory_space<vmem>>, %arg2: memref<16x128xf32, #tpu.memory_space<vmem>>, %arg3: memref<1x128xf32, #tpu.memory_space<vmem>>, %arg4: memref<5896x128xf32, #tpu.memory_space<vmem>>) attributes {dimension_semantics = [#tpu.dimension_semantics<arbitrary>], iteration_bounds = array<i64: 56>, scalar_prefetch = 0 : i64, scratch_operands = 0 : i64, tpu.core_type = #tpu.core_type<tc>, window_params = [{transform_indices = @transform_0, window_bounds = array<i64: 5896, 16>}, {pipeline_mode = #tpu.pipeline_mode<synchronous>, transform_indices = @transform_1, window_bounds = array<i64: 16, 128>}, {pipeline_mode = #tpu.pipeline_mode<synchronous>, transform_indices = @transform_2, window_bounds = array<i64: 1, 128>}, {transform_indices = @transform_3, window_bounds = array<i64: 5896, 128>}]} {
    %get3A = arith.constant 0 : index
    %get3A_0 = arith.constant 0 : index
    %get3A_1 = vector.load %arg1[%get3A, %get3A_0] : memref<5896x16xf32, #tpu.memory_space<vmem>>, vector<5896x16xf32>
    %get3A_2 = arith.constant 0 : index
    %get3A_3 = arith.constant 0 : index
    %get3A_4 = vector.load %arg2[%get3A_2, %get3A_3] : memref<16x128xf32, #tpu.memory_space<vmem>>, vector<16x128xf32>
    %dot_general3A = arith.constant dense<0.000000e+00> : vector<5896x128xf32>
    %dot_general3A_5 = tpu.matmul %get3A_1, %get3A_4, %dot_general3A {dimension_numbers = #tpu.dot_dimension_numbers<[1], [0], [0], [1], [0, 0, 1, 1], [], []>, transpose_lhs_hint = false} : vector<5896x16xf32>, vector<16x128xf32>, vector<5896x128xf32> -> vector<5896x128xf32>
    %get3A_6 = arith.constant 0 : index
    %get3A_7 = arith.constant 0 : index
    %get3A_8 = vector.load %arg3[%get3A_6, %get3A_7] : memref<1x128xf32, #tpu.memory_space<vmem>>, vector<1x128xf32>
    %add3A = vector.broadcast %get3A_8 : vector<1x128xf32> to vector<5896x128xf32>
    %add3A_9 = arith.addf %dot_general3A_5, %add3A : vector<5896x128xf32>
    %swap3A = arith.constant 0 : index
    %swap3A_10 = arith.constant 0 : index
    %swap3A_11 = vector.load %arg4[%swap3A, %swap3A_10] : memref<5896x128xf32, #tpu.memory_space<vmem>>, vector<5896x128xf32>
    tpu.vector_store %arg4[%swap3A, %swap3A_10], %add3A_9 {strides = array<i32>} : memref<5896x128xf32, #tpu.memory_space<vmem>>, vector<5896x128xf32>,
    return
  }
  func.func @transform_0(%arg0: i32) -> (i32, i32) {
    %c0_i32 = arith.constant 0 : i32
    %c0_i32_0 = arith.constant 0 : i32
    return %arg0, %c0_i32 : i32, i32
  }
  func.func @transform_1(%arg0: i32) -> (i32, i32) {
    %c0_i32 = arith.constant 0 : i32
    %c0_i32_0 = arith.constant 0 : i32
    %c0_i32_1 = arith.constant 0 : i32
    return %c0_i32, %c0_i32_0 : i32, i32
  }
  func.func @transform_2(%arg0: i32) -> (i32, i32) {
    %c0_i32 = arith.constant 0 : i32
    %c0_i32_0 = arith.constant 0 : i32
    %c0_i32_1 = arith.constant 0 : i32
    return %c0_i32, %c0_i32_0 : i32, i32
  }
  func.func @transform_3(%arg0: i32) -> (i32, i32) {
    %c0_i32 = arith.constant 0 : i32
    %c0_i32_0 = arith.constant 0 : i32
    return %arg0, %c0_i32 : i32, i32
  }
}

module attributes {stable_mosaic.version = 14 : i64} {
  func.func @_pre_x_body(%arg0: memref<10000x128xf32, #tpu.memory_space<vmem>>, %arg1: memref<128x128xf32, #tpu.memory_space<vmem>>, %arg2: memref<1x128xf32, #tpu.memory_space<vmem>>, %arg3: memref<10000x128xf32, #tpu.memory_space<vmem>>) attributes {dimension_semantics = [], scalar_prefetch = 0 : i64, scratch_operands = 0 : i64, tpu.core_type = #tpu.core_type<tc>} {
    %get3A = arith.constant 0 : index
    %get3A_0 = arith.constant 0 : index
    %get3A_1 = vector.load %arg0[%get3A, %get3A_0] : memref<10000x128xf32, #tpu.memory_space<vmem>>, vector<10000x128xf32>
    %get3A_2 = arith.constant 0 : index
    %get3A_3 = arith.constant 0 : index
    %get3A_4 = vector.load %arg1[%get3A_2, %get3A_3] : memref<128x128xf32, #tpu.memory_space<vmem>>, vector<128x128xf32>
    %dot_general3A = arith.constant dense<0.000000e+00> : vector<10000x128xf32>
    %dot_general3A_5 = tpu.matmul %get3A_1, %get3A_4, %dot_general3A {dimension_numbers = #tpu.dot_dimension_numbers<[1], [0], [0], [1], [0, 0, 1, 1], [], []>, transpose_lhs_hint = false} : vector<10000x128xf32>, vector<128x128xf32>, vector<10000x128xf32> -> vector<10000x128xf32>
    %get3A_6 = arith.constant 0 : index
    %get3A_7 = arith.constant 0 : index
    %get3A_8 = vector.load %arg2[%get3A_6, %get3A_7] : memref<1x128xf32, #tpu.memory_space<vmem>>, vector<1x128xf32>
    %add3A = vector.broadcast %get3A_8 : vector<1x128xf32> to vector<10000x128xf32>
    %add3A_9 = arith.addf %dot_general3A_5, %add3A : vector<10000x128xf32>
    %swap3A = arith.constant 0 : index
    %swap3A_10 = arith.constant 0 : index
    %swap3A_11 = vector.load %arg3[%swap3A, %swap3A_10] : memref<10000x128xf32, #tpu.memory_space<vmem>>, vector<10000x128xf32>
    tpu.vector_store %arg3[%swap3A, %swap3A_10], %add3A_9 {strides = array<i32>} : memref<10000x128xf32, #tpu.memory_space<vmem>>, vector<10000x128xf32>,
    return
  }
}

module attributes {stable_mosaic.version = 14 : i64} {
  func.func @_post_body(%arg0: memref<2x10112x128xf32, #tpu.memory_space<vmem>>, %arg1: memref<10000x128xf32, #tpu.memory_space<vmem>>, %arg2: memref<128x128xf32, #tpu.memory_space<vmem>>, %arg3: memref<1x128xf32, #tpu.memory_space<vmem>>, %arg4: memref<1x128xf32, #tpu.memory_space<vmem>>, %arg5: memref<1x128xf32, #tpu.memory_space<vmem>>, %arg6: memref<10000x128xf32, #tpu.memory_space<vmem>>) attributes {dimension_semantics = [], scalar_prefetch = 0 : i64, scratch_operands = 0 : i64, tpu.core_type = #tpu.core_type<tc>} {
    %get3A = arith.constant 0 : index
    %get3A_0 = arith.constant 0 : index
    %get3A_1 = arith.constant 0 : index
    %get3A_2 = vector.load %arg0[%get3A, %get3A_0, %get3A_1] : memref<2x10112x128xf32, #tpu.memory_space<vmem>>, vector<1x10112x128xf32>
    %get3A_3 = vector.shape_cast %get3A_2 : vector<1x10112x128xf32> to vector<10112x128xf32>
    %get3A_4 = arith.constant 1 : index
    %get3A_5 = arith.constant 0 : index
    %get3A_6 = arith.constant 0 : index
    %get3A_7 = vector.load %arg0[%get3A_4, %get3A_5, %get3A_6] : memref<2x10112x128xf32, #tpu.memory_space<vmem>>, vector<1x10112x128xf32>
    %get3A_8 = vector.shape_cast %get3A_7 : vector<1x10112x128xf32> to vector<10112x128xf32>
    %add3A = arith.addf %get3A_3, %get3A_8 : vector<10112x128xf32>
    %slice3A = vector.extract_strided_slice %add3A {offsets = [0, 0], sizes = [10000, 128], strides = [1, 1]} : vector<10112x128xf32> to vector<10000x128xf32>
    %get3A_9 = arith.constant 0 : index
    %get3A_10 = arith.constant 0 : index
    %get3A_11 = vector.load %arg1[%get3A_9, %get3A_10] : memref<10000x128xf32, #tpu.memory_space<vmem>>, vector<10000x128xf32>
    %get3A_12 = arith.constant 0 : index
    %get3A_13 = arith.constant 0 : index
    %get3A_14 = vector.load %arg2[%get3A_12, %get3A_13] : memref<128x128xf32, #tpu.memory_space<vmem>>, vector<128x128xf32>
    %dot_general3A = arith.constant dense<0.000000e+00> : vector<10000x128xf32>
    %dot_general3A_15 = tpu.matmul %get3A_11, %get3A_14, %dot_general3A {dimension_numbers = #tpu.dot_dimension_numbers<[1], [0], [0], [1], [0, 0, 1, 1], [], []>, transpose_lhs_hint = false} : vector<10000x128xf32>, vector<128x128xf32>, vector<10000x128xf32> -> vector<10000x128xf32>
    %get3A_16 = arith.constant 0 : index
    %get3A_17 = arith.constant 0 : index
    %get3A_18 = vector.load %arg3[%get3A_16, %get3A_17] : memref<1x128xf32, #tpu.memory_space<vmem>>, vector<1x128xf32>
    %add3A_19 = vector.broadcast %get3A_18 : vector<1x128xf32> to vector<10000x128xf32>
    %add3A_20 = arith.addf %dot_general3A_15, %add3A_19 : vector<10000x128xf32>
    %max3A = arith.constant 0.000000e+00 : f32
    %max3A_21 = vector.broadcast %max3A : f32 to vector<10000x128xf32>
    %max3A_22 = arith.maximumf %slice3A, %max3A_21 : vector<10000x128xf32>
    %max3A_23 = arith.constant 0.000000e+00 : f32
    %max3A_24 = vector.broadcast %max3A_23 : f32 to vector<10000x128xf32>
    %max3A_25 = arith.maximumf %add3A_20, %max3A_24 : vector<10000x128xf32>
    %add3A_26 = arith.addf %max3A_22, %max3A_25 : vector<10000x128xf32>
    %reduce_sum3A = arith.constant dense<0.000000e+00> : vector<128xf32>
    %reduce_sum3A_27 = vector.multi_reduction <add>, %add3A_26, %reduce_sum3A [0] : vector<10000x128xf32> to vector<128xf32>
    %broadcast_in_dim3A = vector.shape_cast %reduce_sum3A_27 : vector<128xf32> to vector<1x128xf32>
    %div3A = arith.constant 1.000000e+04 : f32
    %div3A_28 = vector.broadcast %div3A : f32 to vector<1x128xf32>
    %div3A_29 = arith.divf %broadcast_in_dim3A, %div3A_28 : vector<1x128xf32>
    %sub3A = vector.broadcast %div3A_29 : vector<1x128xf32> to vector<10000x128xf32>
    %sub3A_30 = arith.subf %add3A_26, %sub3A : vector<10000x128xf32>
    %integer_pow3A = arith.mulf %sub3A_30, %sub3A_30 : vector<10000x128xf32>
    %reduce_sum3A_31 = arith.constant dense<0.000000e+00> : vector<128xf32>
    %reduce_sum3A_32 = vector.multi_reduction <add>, %integer_pow3A, %reduce_sum3A_31 [0] : vector<10000x128xf32> to vector<128xf32>
    %broadcast_in_dim3A_33 = vector.shape_cast %reduce_sum3A_32 : vector<128xf32> to vector<1x128xf32>
    %div3A_34 = arith.constant 1.000000e+04 : f32
    %div3A_35 = vector.broadcast %div3A_34 : f32 to vector<1x128xf32>
    %div3A_36 = arith.divf %broadcast_in_dim3A_33, %div3A_35 : vector<1x128xf32>
    %sub3A_37 = vector.broadcast %div3A_29 : vector<1x128xf32> to vector<10000x128xf32>
    %sub3A_38 = arith.subf %add3A_26, %sub3A_37 : vector<10000x128xf32>
    %add3A_39 = arith.constant 9.99999974E-6 : f32
    %add3A_40 = vector.broadcast %add3A_39 : f32 to vector<1x128xf32>
    %add3A_41 = arith.addf %div3A_36, %add3A_40 : vector<1x128xf32>
    %rsqrt3A = math.rsqrt %add3A_41 : vector<1x128xf32>
    %mul3A = vector.broadcast %rsqrt3A : vector<1x128xf32> to vector<10000x128xf32>
    %mul3A_42 = arith.mulf %sub3A_38, %mul3A : vector<10000x128xf32>
    %get3A_43 = arith.constant 0 : index
    %get3A_44 = arith.constant 0 : index
    %get3A_45 = vector.load %arg4[%get3A_43, %get3A_44] : memref<1x128xf32, #tpu.memory_space<vmem>>, vector<1x128xf32>
    %mul3A_46 = vector.broadcast %get3A_45 : vector<1x128xf32> to vector<10000x128xf32>
    %mul3A_47 = arith.mulf %mul3A_42, %mul3A_46 : vector<10000x128xf32>
    %get3A_48 = arith.constant 0 : index
    %get3A_49 = arith.constant 0 : index
    %get3A_50 = vector.load %arg5[%get3A_48, %get3A_49] : memref<1x128xf32, #tpu.memory_space<vmem>>, vector<1x128xf32>
    %add3A_51 = vector.broadcast %get3A_50 : vector<1x128xf32> to vector<10000x128xf32>
    %add3A_52 = arith.addf %mul3A_47, %add3A_51 : vector<10000x128xf32>
    %swap3A = arith.constant 0 : index
    %swap3A_53 = arith.constant 0 : index
    %swap3A_54 = vector.load %arg6[%swap3A, %swap3A_53] : memref<10000x128xf32, #tpu.memory_space<vmem>>, vector<10000x128xf32>
    tpu.vector_store %arg6[%swap3A, %swap3A_53], %add3A_52 {strides = array<i32>} : memref<10000x128xf32, #tpu.memory_space<vmem>>, vector<10000x128xf32>,
    return
  }
}

</mosaic_0001>

<sc_bundles>
// kernel: kernel.6.cloned.1.call-start
scs
__scs_entry_jumppad:
0x0: {  	(pc) =	sbr.rel $0x88, $3  }
0x1: {  	(tag) =	ssettag $0x0;
	lr =	simm.s32 $0x1  }
0x2: {  	[smem:$0x3F96] =	sst lr;
	_ =	strace $0xD0000000  }
0x3: {  	_ = 	snop  }
0x4: {  	_ = 	snop  }
0x5: {  	_ = 	snop  }
0x6: {  	_ = 	snop  }
0x7: {  	_ = 	snop  }
__scs_overlays_trampoline_lowered:
0x8: {  	[smem:$0x3FA5] =	sst s0  }
0x9: {  	[smem:$0x3FA6] =	sst s1  }
0xa: {  	[smem:$0x3FA7] =	sst s2  }
0xb: {  	[smem:$0x3FA8] =	sst s3  }
0xc: {  	[smem:$0x3FA9] =	sst s4  }
0xd: {  	[smem:$0x3FAA] =	sst s5  }
0xe: {  	[smem:$0x3FAB] =	sst s6  }
0xf: {  	[smem:$0x3FAC] =	sst s7  }
0x10: {  	[smem:$0x3FAD] =	sst s8  }
0x11: {  	[smem:$0x3FAE] =	sst s9;
	s0 =	simm.s32 @!p0 $0x0  }
0x12: {  	s1 =	sld [smem:$0x3F94];
	s0 =	simm.s32 @p0 $0x1  }
0x13: {  	[smem:$0x3FAF] =	sst s0;
	s0 =	simm.s32 @!p1 $0x0  }
0x14: {  	s2 =	sld [smem:$0x3F93];
	s0 =	simm.s32 @p1 $0x1  }
0x15: {  	[smem:$0x3FB0] =	sst s0;
	s0 =	simm.s32 @!p2 $0x0  }
0x16: {  	s3 =	sld [smem:$0x3FDB];
	s0 =	simm.s32 @p2 $0x1  }
0x17: {  	s4 =	simm.s32 $0x1BF5;
	[smem:$0x3FB2] =	sst s0  }
0x18: {  	s0 =	sld [smem:$0x3F95];
	_ =	swait.ge [sflag:s4], $0x0  }
0x19: {  	s7 =	sld [smem:$0x3F96]  }
0x1a: {  	s8 =	sadd.s32 $0xFFFFE003, lr  }
0x1b: {  	s9 =	sadd.s32 $0xFFFFFEF7, lr;
	s5 =	simm.s32 $0xFFFFFFFF;
	p2 =	slt.u32 s8, $0xFFFFF086  }
0x1c: {  	p1 =	slt.u32 s9, $0xF7A;
	s5 =	simm.s32 @!p2 $0x0  }
0x1d: {  	s5 =	simm.s32 @p1 $0x1;
	p0 =	seq.s32 s7, s2  }
0x1e: {  	s7 =	smul.u32 @!p0 $0xF7A, s2;
	p2 =	seq.s32 @!p0 s5, $0x0  }
0x1f: {  	s9 =	smul.u32 $0xF7A, s1;
	s8 =	simm.s32 @!p0 $0x1BF5;
	p2 =	por !p2, p0  }
0x20: {  	[sflag:s8] =	ssyncset.s32 @!p0 $0xFFFFF086;
	s6 =	sadd.s32 @!p0 s3, s7;
	s7 =	simm.s32 @!p0 $0x108  }
0x21: {  	s3 =	sadd.s32 s3, s9;
	s6 =	sadd.s32 @!p0 $0x88, s6;
	s7 =	simm.s32 @p2 $0x1082  }
0x22: {  	[simem:s7], [sflag:s8] =	dma.local @!p0 [hbm:s6], $0xF7A  }
0x23: {  	s9 =	sor.u32 $0xD0000000, s2;
	s6 =	simm.s32 $0x108;
	_ =	swait.ge @!p0 [sflag:s8], $0x0  }
0x24: {  	s3 =	sadd.s32 $0x88, s3;
	s6 =	simm.s32 @!p1 $0x1082;
	[sflag:s4] =	ssyncset.s32 $0xFFFFF086  }
0x25: {  	[simem:s6], [sflag:s4] =	dma.local [hbm:s3], $0xF7A  }
0x26: {  	[smem:$0x3F96] =	sst s1;
	(tag) =	ssettag s2;
	_ =	strace s9  }
0x27: {  	s1 =	sld [smem:$0x3FA6]  }
0x28: {  	s2 =	sld [smem:$0x3FA7]  }
0x29: {  	s4 =	sld [smem:$0x3FA9]  }
0x2a: {  	p0 =	seq.s32 s5, $0x0;
	s5 =	sld [smem:$0x3FAA]  }
0x2b: {  	s6 =	sld [smem:$0x3FAB]  }
0x2c: {  	s7 =	sld [smem:$0x3FAC]  }
0x2d: {  	s3 =	simm.s32 $0x108;
	s8 =	sld [smem:$0x3FAD]  }
0x2e: {  	s3 =	simm.s32 @!p0 $0x1082;
	s9 =	sld [smem:$0x3FAE]  }
0x2f: {  	lr =	sadd.s32 s0, s3;
	s0 =	sld [smem:$0x3FA5]  }
0x30: {  	s3 =	sld [smem:$0x3FA8]  }
0x31: {  	[smem:$0x3FB1] =	sst s10  }
0x32: {  	s10 =	sld [smem:$0x3FAF];
	_ =	sdelay $0x3  }
0x33: {  	p0 =	seq.s32 s10, $0x1;
	s10 =	sld [smem:$0x3FB1];
	_ =	sdelay $0x3  }
0x34: {  	[smem:$0x3FB1] =	sst s10  }
0x35: {  	s10 =	sld [smem:$0x3FB0];
	_ =	sdelay $0x3  }
0x36: {  	p1 =	seq.s32 s10, $0x1;
	s10 =	sld [smem:$0x3FB1];
	_ =	sdelay $0x3  }
0x37: {  	[smem:$0x3FB1] =	sst s10  }
0x38: {  	s10 =	sld [smem:$0x3FB2]  }
0x39: {  	_ = 	snop;
	(pc) =	sbr.ind lr, $3  }
0x3a: {  	_ = 	snop  }
0x3b: {  	_ = 	snop  }
0x3c: {  	p2 =	seq.s32 s10, $0x1;
	s10 =	sld [smem:$0x3FB1]  }
0x3d: {  	_ =	shalt  }
0x3e: {  	_ =	shalt  }
0x3f: {  	_ =	shalt  }
0x40: {  	_ =	shalt  }
0x41: {  	_ =	shalt  }
0x42: {  	_ =	shalt  }
0x43: {  	_ =	shalt  }
0x44: {  	_ =	shalt  }
0x45: {  	_ =	shalt  }
0x46: {  	_ =	shalt  }
0x47: {  	_ =	shalt  }
0x48: {  	_ =	shalt  }
0x49: {  	_ =	shalt  }
0x4a: {  	_ =	shalt  }
0x4b: {  	_ =	shalt  }
0x4c: {  	_ =	shalt  }
0x4d: {  	_ =	shalt  }
0x4e: {  	_ =	shalt  }
0x4f: {  	_ =	shalt  }
0x50: {  	_ =	shalt  }
0x51: {  	_ =	shalt  }
0x52: {  	_ =	shalt  }
0x53: {  	_ =	shalt  }
0x54: {  	_ =	shalt  }
0x55: {  	_ =	shalt  }
0x56: {  	_ =	shalt  }
0x57: {  	_ =	shalt  }
0x58: {  	_ =	shalt  }
0x59: {  	_ =	shalt  }
0x5a: {  	_ =	shalt  }
0x5b: {  	_ =	shalt  }
0x5c: {  	_ =	shalt  }
0x5d: {  	_ =	shalt  }
0x5e: {  	_ =	shalt  }
0x5f: {  	_ =	shalt  }
0x60: {  	_ =	shalt  }
0x61: {  	_ =	shalt  }
0x62: {  	_ =	shalt  }
0x63: {  	_ =	shalt  }
0x64: {  	_ =	shalt  }
0x65: {  	_ =	shalt  }
0x66: {  	_ =	shalt  }
0x67: {  	_ =	shalt  }
0x68: {  	_ =	shalt  }
0x69: {  	_ =	shalt  }
0x6a: {  	_ =	shalt  }
0x6b: {  	_ =	shalt  }
0x6c: {  	_ =	shalt  }
0x6d: {  	_ =	shalt  }
0x6e: {  	_ =	shalt  }
0x6f: {  	_ =	shalt  }
0x70: {  	_ =	shalt  }
0x71: {  	_ =	shalt  }
0x72: {  	_ =	shalt  }
0x73: {  	_ =	shalt  }
0x74: {  	_ =	shalt  }
0x75: {  	_ =	shalt  }
0x76: {  	_ =	shalt  }
0x77: {  	_ =	shalt  }
0x78: {  	_ =	shalt  }
0x79: {  	_ =	shalt  }
0x7a: {  	_ =	shalt  }
0x7b: {  	_ =	shalt  }
0x7c: {  	_ =	shalt  }
0x7d: {  	_ =	shalt  }
0x7e: {  	_ =	shalt  }
0x7f: {  	_ =	shalt  }
0x80: {  	_ =	shalt  }
0x81: {  	_ =	shalt  }
0x82: {  	_ =	shalt  }
0x83: {  	_ =	shalt  }
0x84: {  	_ =	shalt  }
0x85: {  	_ =	shalt  }
0x86: {  	_ =	shalt  }
0x87: {  	_ =	shalt  }
.Lfunc_end0:
.L_simem_size_0:
called_computation_lowered:
.L_overlay_start_0:
0x88: {  	s2 =	sld [smem:$0x3FD9]  }
0x89: {  	s3 =	sld [smem:$0x3FFE];
	_ =	sdelay $0x1  }
0x8a: {  	s1 =	srdreg.scid  }
0x8b: {  	s0 =	sand.u32 $0x1, s1  }
0x8c: {  	s17 =	sshll.u32 s0, $0xA;
	s2 =	sadd.s32 s3, s2  }
0x8d: {  	s2 =	sadd.s32 s2, s17  }
0x8e: {  	[smem:$0x3FBD] =	sst s2  }
0x8f: {  	_ = 	snop  }
0x90: {  	s2 =	sld [smem:$0x3FD0];
	(tm) =	ssettm $0x1  }
0x91: {  	s18 =	sld [smem:$0x3FFB];
	_ =	sdelay $0x3  }
0x92: {  	_ =	strace s18  }
0x93: {  	s3 =	sld [smem:$0x3FFC];
	_ =	sdelay $0x3  }
0x94: {  	_ =	strace s3  }
0x95: {  	s3 =	sld [smem:$0x3FFD];
	_ =	sdelay $0x3  }
0x96: {  	_ =	strace s3  }
0x97: {  	_ =	strace $0x8FFFFFFF  }
0x98: {  	s19 =	sld [smem:$0x3FDB];
	_ =	sdelay $0x1  }
0x99: {  	s4 =	simm.s32 $_scs_section_size  }
0x9a: {  	s5 =	simm.s32 $_size__tile_overlayer_lowered;
	s6 =	simm.s32 $_tile_overlayer_lowered  }
0x9b: {  	s22 =	simm.s32 $0x1BFF;
	s21 =	sshll.u32 s6, $0x1;
	s3 =	sadd.s32 s4, s19  }
0x9c: {  	s7 =	simm.s32 $0x0;
	s20 =	sshll.u32 s5, $0x1;
	s5 =	sadd.s32 s21, s3  }
0x9d: {  	[timem:s7], [sflag:s22] =	dma.local [hbm:s5], s20  }
0x9e: {  	_ =	swait.ge [sflag:s22], s20  }
0x9f: {  	s4 =	ssub.s32 $0x0, s20;
	[sflag:s22] =	ssyncset.done $0x0  }
0xa0: {  	[sflag:s22] =	ssyncadd.s32 s4;
	_ =	sdelay $0x1  }
0xa1: {  	s23 =	simm.s32 $0x1B8B  }
0xa2: {  	_ =	swait.ge [sflag:s23], $0x1  }
0xa3: {  	[sflag:s23] =	ssyncset.done $0x0  }
0xa4: {  	s25 =	simm.s32 $0x1B8E;
	s24 =	sld [smem:$0x3FFE];
	[sflag:s23] =	ssyncadd.s32 $0xFFFFFFFF  }
0xa5: {  	s26 =	simm.s32 $execute0_lowered;
	[smem:$0x3FD2] =	sst s25  }
0xa6: {  	s5 =	sshll.u32 s26, $0x1;
	_ =	strace $0x80000046;
	[dreg:$0x1] =	wrdreg $0xFFFFFFFF  }
0xa7: {  	s28 =	simm.s32 $_size_execute0_lowered;
	s3 =	sadd.s32 s3, s5;
	[dreg:$0x0] =	wrdreg $0x0  }
0xa8: {  	s5 =	sshll.u32 s28, $0x1;
	[dreg:$0x2] =	wrdreg s3  }
0xa9: {  	[dreg:$0x3] =	wrdreg s5  }
0xaa: {  	[dreg:$0x4] =	wrdreg $0xC0  }
0xab: {  	_ =	task [dreg:s7], $0x5FFFF  }
0xac: {  	[dreg:$0x1] =	wrdreg $0xFFFFFFFF  }
0xad: {  	[dreg:$0x0] =	wrdreg $0x60  }
0xae: {  	[dreg:$0x2] =	wrdreg s2  }
0xaf: {  	[dreg:$0x3] =	wrdreg s24  }
0xb0: {  	[dreg:$0x4] =	wrdreg $0xB4000  }
0xb1: {  	[dreg:$0x5] =	wrdreg $0x9  }
0xb2: {  	_ =	task.clear_ibuf [dreg:s7], $0x6FFFF;
	_ =	strace $0x90000046  }
0xb3: {  	s29 =	simm.s32 $0x9;
	_ =	strace $0x80000048  }
0xb4: {  	_ =	swait.ge [sflag:s29], $0x1  }
0xb5: {  	[sflag:s29] =	ssyncadd.s32 $0xFFFFFFFF  }
0xb6: {  	_ =	strace $0x90000048  }
0xb7: {  	_ =	sfence  }
0xb8: {  	s30 =	sld [smem:$0x0];
	_ =	sdelay $0x2  }
0xb9: {  	s31 =	sshll.u32 s1, $0xD;
	s1 =	sshrl.u32 s1, $0x2  }
0xba: {  	s3 =	sand.u32 $0x4000, s31;
	s1 =	sadd.s32 s1, s30  }
0xbb: {  	s0 =	sor.u32 s3, s0;
	s1 =	sshll.u32 s1, $0x11  }
0xbc: {  	s0 =	sor.u32 s1, s0  }
0xbd: {  	s0 =	sadd.s32 $0x8F2B, s0  }
0xbe: {  	[sflag:s0] =	ssyncadd.remote.s32 $0x1  }
0xbf: {  	_ =	sfence.sel $0xFFFF  }
0xc0: {  	[dreg:$0x0] =	wrdreg $0xFFFFFFFF;
	(pc) =	sbr.abs _section_cstart, $3  }
0xc1: {  	[dreg:$0x1] =	wrdreg $0xFFFFFFFF  }
0xc2: {  	_ =	task.clear_ibuf [dreg:s7], $0x2FFFF;
	_ =	strace $0x9FFFFFFF  }
0xc3: {  	(tm) =	ssettm $0x7FFFFFFF  }
tec
execute0_lowered:
.L_overlay_start_1:
0x0: {  	(tag) =	ssettag $0x1  }
0x1: {  	s1 =	rddreg [dreg:$0x0]  }
0x2: {  	s0 =	rddreg [dreg:$0x1]  }
0x3: {  	s2 =	rddreg [dreg:$0x2]  }
0x4: {  	s4 =	simm.s32 $0x0;
	s3 =	srdreg.scid;
	s12 =	stileid.u32  }
0x5: {  	s28 =	simm.s32 $0x80;
	s29 =	simm.s32 $0x280;
	s30 =	simm.s32 $0x100  }
0x6: {  	s31 =	simm.s32 $0x300;
	[smem:$0x7FF] =	sst s4;
	s6 =	smul.u32 $0x13C00, s12  }
0x7: {  	s3 =	sand.u32 $0x1, s3;
	s7 =	sadd.s32 $0x4ED600, s0;
	s10 =	sadd.s32 $0x4E3400, s0  }
0x8: {  	s11 =	sadd.s32 $0xA01400, s0;
	s9 =	smul.u32 $0x45, s12;
	s8 =	sadd.s32 $0x1400, s0  }
0x9: {  	s16 =	sshll.u32 s12, $0x6;
	s5 =	smul.u32 $0x13C000, s3;
	_ =	strace $0x80000047  }
0xa: {  	[dreg:$0x5] =	wrdreg s8;
	p0 =	seq.s32 s3, $0x0;
	s3 =	ssub.s32 $0x2, s3  }
0xb: {  	s8 =	smul.u32 $0xA5, s12;
	s19 =	sor.u32 $0x1C09, s16;
	s13 =	sshrl.u32 s3, $0x1  }
0xc: {  	s16 =	simm.s32 $0x4;
	s5 =	sadd.s32 s6, s5;
	s3 =	ssub.s32 s3, s13  }
0xd: {  	[dreg:$0x7] =	wrdreg s19;
	s5 =	sshrl.u32 s5, $0x3;
	s25 =	smax.u32 s3, $0x1  }
0xe: {  	s3 =	simm.s32 $0x3000;
	s0 =	sadd.s32 s5, s0;
	s5 =	sadd.s32 $0xA50, s9  }
0xf: {  	s9 =	smul.u32 $0x4F000, s12;
	[dreg:$0x11] =	wrdreg s25;
	s8 =	smov.u32 @p0 s5  }
0x10: {  	s25 =	simm.s32 $0x400;
	s5 =	simm.s32 $0x2EC;
	s14 =	smul.u32 $0xB, s8  }
0x11: {  	s0 =	sadd.s32 $0x3C00, s0;
	s5 =	simm.s32 @!p0 $0x70C;
	s17 =	smul.u32 $0x58, s8  }
0x12: {  	s15 =	sshrl.u32 s9, $0x2;
	s18 =	smul.u32 $0x580, s8;
	[dreg:$0x10] =	wrdreg s0  }
0x13: {  	s0 =	simm.s32 $0x2;
	[dreg:$0x4] =	wrdreg s5;
	s6 =	sadd.s32 s15, s2  }
0x14: {  	[dreg:$0x6] =	wrdreg s6;
	s8 =	sadd.s32 s7, s14;
	s9 =	sadd.s32 s10, s14  }
0x15: {  	s20 =	sadd.s32 $0x58, s17;
	s14 =	sadd.s32 s11, s18;
	s13 =	sshrl.u32 s17, $0x3  }
0x16: {  	s12 =	sadd.s32 $0x108, s17;
	s17 =	simm.s32 $0x8;
	s18 =	simm.s32 $0x0  }
0x17: {  	s21 =	sshrl.u32 s20, $0x3;
	s22 =	sadd.s32 $0x16, s13;
	s5 =	sshll.u32 s20, $0x4  }
0x18: {  	s23 =	sshrl.u32 s12, $0x3;
	[dreg:$0x8] =	wrdreg s14;
	s26 =	sadd.s32 $0x1B80, s14  }
0x19: {  	s12 =	simm.s32 $0x380;
	s15 =	sadd.s32 s7, s21;
	[dreg:$0x12] =	wrdreg s26  }
0x1a: {  	s14 =	simm.s32 $0x7;
	s6 =	sadd.s32 s10, s21;
	[dreg:$0x9] =	wrdreg s15  }
0x1b: {  	s13 =	sadd.s32 s7, s22;
	s5 =	sadd.s32 s11, s5;
	[dreg:$0xa] =	wrdreg s6  }
0x1c: {  	s24 =	sadd.s32 s7, s23;
	s26 =	simm.s32 $0x5C00;
	[dreg:$0xb] =	wrdreg s13  }
0x1d: {  	s11 =	simm.s32 $0x180;
	s6 =	sadd.s32 s10, s22;
	[dreg:$0xd] =	wrdreg s5  }
0x1e: {  	[dreg:$0xe] =	wrdreg s24;
	s5 =	sadd.s32 s10, s23;
	s10 =	simm.s32 $0x9  }
0x1f: {  	s22 =	simm.s32 $0x200;
	s23 =	simm.s32 $0x1;
	s24 =	simm.s32 $0x58  }
0x20: {  	s13 =	simm.s32 $0x3;
	s15 =	simm.s32 $0x6;
	[dreg:$0xc] =	wrdreg s6  }
0x21: {  	[dreg:$0xf] =	wrdreg s5;
	s5 =	simm.s32 $0x8800;
	s6 =	simm.s32 $0x5  }
.LBB2_1:
0x22: {  	s7 =	rddreg [dreg:$0x6]  }
0x23: {  	s21 =	rddreg [dreg:$0x5];
	s20 =	sshrl.u32 s7, $0x3  }
0x24: {  	[dreg:$0x13] =	wrdreg s20  }
0x25: {  	[spmem:s20], [sflag:s19] =	dma.local [hbm:s21], $0x2780  }
0x26: {  	_ =	swait.ge [sflag:s10], $0x2780  }
0x27: {  	[sflag:s10] =	ssyncset.done $0x0  }
0x28: {  	[sflag:s10] =	ssyncadd.s32 $0xFFFFD880  }
0x29: {  	[bflag:$0x0] =	sbarrier.arrive $0xFFFF  }
0x2a: {  	[tilespmem:s4], [sflag:$0x1] =	stream.linear.gather [hbm4b:s8+s4], $0x58, $0x38;
	[tilespmem:$0x1F000] =	vst v63  }
0x2b: {  	_ = 	snop  }
0x2c: {  	[tilespmem:s22], [sflag:$0x1] =	stream.linear.gather [hbm4b:s9+s4], $0x58, $0x38;
	[tilespmem:$0x1F000] =	vst v63  }
0x2d: {  	_ =	swait.ge [sflag:s23], $0x58  }
0x2e: {  	[sflag:s23] =	ssyncset.done $0x0  }
0x2f: {  	[sflag:s23] =	ssyncadd.s32 $0xFFFFFFA8  }
0x30: {  	_ =	swait.ge [sflag:s23], $0x58  }
0x31: {  	[sflag:s23] =	ssyncset.done $0x0  }
0x32: {  	[sflag:s23] =	ssyncadd.s32 $0xFFFFFFA8  }
0x33: {  	[tilespmem:s25], [sflag:$0x5] =	stream.indirect.gather [hbm4b:s1+s24], $0x80, s4, s24, $0xb8;
	[tilespmem:$0x1F000] =	vst v63  }
0x34: {  	s19 =	rddreg [dreg:$0x8]  }
0x35: {  	[tilespmem:s26], [sflag:$0x5] =	stream.linear.gather [hbm4b:s19+s4], $0x2C00, $0x38;
	[tilespmem:$0x1F000] =	vst v63  }
0x36: {  	s20 =	rddreg [dreg:$0x9]  }
0x37: {  	[tilespmem:s28], [sflag:$0x2] =	stream.linear.gather [hbm4b:s20+s4], $0x58, $0x38;
	[tilespmem:$0x1F000] =	vst v63  }
0x38: {  	s21 =	rddreg [dreg:$0xa]  }
0x39: {  	[tilespmem:s29], [sflag:$0x2] =	stream.linear.gather [hbm4b:s21+s4], $0x58, $0x38;
	[tilespmem:$0x1F000] =	vst v63  }
0x3a: {  	s10 =	rddreg [dreg:$0xb]  }
0x3b: {  	[tilespmem:s30], [sflag:$0x3] =	stream.linear.gather [hbm4b:s10+s4], $0x58, $0x38;
	[tilespmem:$0x1F000] =	vst v63  }
0x3c: {  	s19 =	rddreg [dreg:$0xc]  }
0x3d: {  	[tilespmem:s31], [sflag:$0x3] =	stream.linear.gather [hbm4b:s19+s4], $0x58, $0x38;
	[tilespmem:$0x1F000] =	vst v63  }
0x3e: {  	_ =	swait.ge [sflag:s0], $0x58  }
0x3f: {  	[sflag:s0] =	ssyncset.done $0x0  }
0x40: {  	[sflag:s0] =	ssyncadd.s32 $0xFFFFFFA8  }
0x41: {  	_ =	swait.ge [sflag:s0], $0x58  }
0x42: {  	[sflag:s0] =	ssyncset.done $0x0  }
0x43: {  	[sflag:s0] =	ssyncadd.s32 $0xFFFFFFA8  }
0x44: {  	[tilespmem:s3], [sflag:$0x6] =	stream.indirect.gather [hbm4b:s1+s24], $0x80, s28, s24, $0xb8;
	[tilespmem:$0x1F000] =	vst v63  }
0x45: {  	s20 =	rddreg [dreg:$0xd]  }
0x46: {  	[tilespmem:s5], [sflag:$0x6] =	stream.linear.gather [hbm4b:s20+s4], $0x2C00, $0x38;
	[tilespmem:$0x1F000] =	vst v63  }
0x47: {  	_ =	swait.ge [sflag:s6], $0x2C00  }
0x48: {  	[sflag:s6] =	ssyncset.done $0x0  }
0x49: {  	[sflag:s6] =	ssyncadd.s32 $0xFFFFD400  }
0x4a: {  	_ =	swait.ge [sflag:s6], $0x2C00  }
0x4b: {  	[sflag:s6] =	ssyncset.done $0x0  }
0x4c: {  	[sflag:s6] =	ssyncadd.s32 $0xFFFFD400  }
0x4d: {  	[spmem:s2] =	stream.indirect.scatter.add.f32 [tilespmem:s25], [sflag:$0x7], $0x80, s22, s24, $0xb8;
	[tilespmem:$0x1F000] =	vst v63  }
0x4e: {  	_ = 	snop  }
0x4f: {  	[spmem:s2] =	stream.indirect.scatter.add.f32 [tilespmem:s26], [sflag:$0x7], $0x80, s22, s24, $0xb8;
	[tilespmem:$0x1F000] =	vst v63  }
0x50: {  	s21 =	rddreg [dreg:$0xe]  }
0x51: {  	[tilespmem:s11], [sflag:$0x4] =	stream.linear.gather [hbm4b:s21+s4], $0x58, $0x38;
	[tilespmem:$0x1F000] =	vst v63  }
0x52: {  	s10 =	rddreg [dreg:$0xf]  }
0x53: {  	[tilespmem:s12], [sflag:$0x4] =	stream.linear.gather [hbm4b:s10+s4], $0x58, $0x38;
	[tilespmem:$0x1F000] =	vst v63  }
0x54: {  	_ =	swait.ge [sflag:s13], $0x58  }
0x55: {  	[sflag:s13] =	ssyncset.done $0x0  }
0x56: {  	[sflag:s13] =	ssyncadd.s32 $0xFFFFFFA8  }
0x57: {  	_ =	swait.ge [sflag:s13], $0x58  }
0x58: {  	[sflag:s13] =	ssyncset.done $0x0  }
0x59: {  	[sflag:s13] =	ssyncadd.s32 $0xFFFFFFA8  }
0x5a: {  	_ =	swait.ge [sflag:s14], $0x2C00  }
0x5b: {  	[sflag:s14] =	ssyncset.done $0x0  }
0x5c: {  	[sflag:s14] =	ssyncadd.s32 $0xFFFFD400  }
0x5d: {  	_ =	swait.ge [sflag:s14], $0x2C00  }
0x5e: {  	[sflag:s14] =	ssyncset.done $0x0  }
0x5f: {  	s20 =	rddreg [dreg:$0x12];
	[sflag:s14] =	ssyncadd.s32 $0xFFFFD400  }
0x60: {  	[tilespmem:s25], [sflag:$0x5] =	stream.indirect.gather [hbm4b:s1+s24], $0x80, s30, s24, $0xb8;
	[tilespmem:$0x1F000] =	vst v63  }
0x61: {  	s19 =	sadd.s32 $0xFFFFEF80, s20  }
0x62: {  	[tilespmem:s26], [sflag:$0x5] =	stream.linear.gather [hbm4b:s19+s4], $0x2C00, $0x38;
	[tilespmem:$0x1F000] =	vst v63  }
0x63: {  	_ =	swait.ge [sflag:s15], $0x2C00  }
0x64: {  	[sflag:s15] =	ssyncset.done $0x0  }
0x65: {  	[sflag:s15] =	ssyncadd.s32 $0xFFFFD400  }
0x66: {  	_ =	swait.ge [sflag:s15], $0x2C00  }
0x67: {  	[sflag:s15] =	ssyncset.done $0x0  }
0x68: {  	[sflag:s15] =	ssyncadd.s32 $0xFFFFD400  }
0x69: {  	[spmem:s2] =	stream.indirect.scatter.add.f32 [tilespmem:s3], [sflag:$0x8], $0x80, s29, s24, $0xb8;
	[tilespmem:$0x1F000] =	vst v63  }
0x6a: {  	s10 =	sadd.s32 $0x0, s8  }
0x6b: {  	[spmem:s2] =	stream.indirect.scatter.add.f32 [tilespmem:s5], [sflag:$0x8], $0x80, s29, s24, $0xb8;
	[tilespmem:$0x1F000] =	vst v63  }
0x6c: {  	s7 =	sadd.s32 $0x0, s9;
	s21 =	sadd.s32 $0x2C, s10  }
0x6d: {  	[tilespmem:s4], [sflag:$0x1] =	stream.linear.gather [hbm4b:s21+s4], $0x58, $0x38;
	[tilespmem:$0x1F000] =	vst v63  }
0x6e: {  	s21 =	sadd.s32 $0x2C, s7  }
0x6f: {  	[tilespmem:s22], [sflag:$0x1] =	stream.linear.gather [hbm4b:s21+s4], $0x58, $0x38;
	[tilespmem:$0x1F000] =	vst v63  }
0x70: {  	_ =	swait.ge [sflag:s16], $0x58  }
0x71: {  	[sflag:s16] =	ssyncset.done $0x0  }
0x72: {  	[sflag:s16] =	ssyncadd.s32 $0xFFFFFFA8  }
0x73: {  	_ =	swait.ge [sflag:s16], $0x58  }
0x74: {  	[sflag:s16] =	ssyncset.done $0x0  }
0x75: {  	[sflag:s16] =	ssyncadd.s32 $0xFFFFFFA8  }
0x76: {  	_ =	swait.ge [sflag:s17], $0x2C00  }
0x77: {  	[sflag:s17] =	ssyncset.done $0x0  }
0x78: {  	[sflag:s17] =	ssyncadd.s32 $0xFFFFD400  }
0x79: {  	_ =	swait.ge [sflag:s17], $0x2C00  }
0x7a: {  	[sflag:s17] =	ssyncset.done $0x0  }
0x7b: {  	[sflag:s17] =	ssyncadd.s32 $0xFFFFD400  }
0x7c: {  	[tilespmem:s3], [sflag:$0x6] =	stream.indirect.gather [hbm4b:s1+s24], $0x80, s11, s24, $0xb8;
	[tilespmem:$0x1F000] =	vst v63  }
0x7d: {  	s21 =	sadd.s32 $0xFFFFF500, s20  }
0x7e: {  	[tilespmem:s5], [sflag:$0x6] =	stream.linear.gather [hbm4b:s21+s4], $0x2C00, $0x38;
	[tilespmem:$0x1F000] =	vst v63  }
0x7f: {  	_ =	swait.ge [sflag:s6], $0x2C00  }
0x80: {  	[sflag:s6] =	ssyncset.done $0x0  }
0x81: {  	[sflag:s6] =	ssyncadd.s32 $0xFFFFD400  }
0x82: {  	_ =	swait.ge [sflag:s6], $0x2C00  }
0x83: {  	[sflag:s6] =	ssyncset.done $0x0  }
0x84: {  	[sflag:s6] =	ssyncadd.s32 $0xFFFFD400  }
0x85: {  	[spmem:s2] =	stream.indirect.scatter.add.f32 [tilespmem:s25], [sflag:$0x7], $0x80, s31, s24, $0xb8;
	[tilespmem:$0x1F000] =	vst v63  }
0x86: {  	_ = 	snop  }
0x87: {  	[spmem:s2] =	stream.indirect.scatter.add.f32 [tilespmem:s26], [sflag:$0x7], $0x80, s31, s24, $0xb8;
	[tilespmem:$0x1F000] =	vst v63  }
0x88: {  	s21 =	sadd.s32 $0x37, s10  }
0x89: {  	[tilespmem:s28], [sflag:$0x2] =	stream.linear.gather [hbm4b:s21+s4], $0x58, $0x38;
	[tilespmem:$0x1F000] =	vst v63  }
0x8a: {  	s21 =	sadd.s32 $0x37, s7  }
0x8b: {  	[tilespmem:s29], [sflag:$0x2] =	stream.linear.gather [hbm4b:s21+s4], $0x58, $0x38;
	[tilespmem:$0x1F000] =	vst v63  }
0x8c: {  	_ =	swait.ge [sflag:s23], $0x58  }
0x8d: {  	[sflag:s23] =	ssyncset.done $0x0  }
0x8e: {  	[sflag:s23] =	ssyncadd.s32 $0xFFFFFFA8  }
0x8f: {  	_ =	swait.ge [sflag:s23], $0x58  }
0x90: {  	[sflag:s23] =	ssyncset.done $0x0  }
0x91: {  	[sflag:s23] =	ssyncadd.s32 $0xFFFFFFA8  }
0x92: {  	_ =	swait.ge [sflag:s14], $0x2C00  }
0x93: {  	[sflag:s14] =	ssyncset.done $0x0  }
0x94: {  	[sflag:s14] =	ssyncadd.s32 $0xFFFFD400  }
0x95: {  	_ =	swait.ge [sflag:s14], $0x2C00  }
0x96: {  	[sflag:s14] =	ssyncset.done $0x0  }
0x97: {  	[sflag:s14] =	ssyncadd.s32 $0xFFFFD400  }
0x98: {  	[tilespmem:s25], [sflag:$0x5] =	stream.indirect.gather [hbm4b:s1+s24], $0x80, s4, s24, $0xb8;
	[tilespmem:$0x1F000] =	vst v63  }
0x99: {  	s21 =	sadd.s32 $0xFFFFFA80, s20  }
0x9a: {  	[tilespmem:s26], [sflag:$0x5] =	stream.linear.gather [hbm4b:s21+s4], $0x2C00, $0x38;
	[tilespmem:$0x1F000] =	vst v63  }
0x9b: {  	_ =	swait.ge [sflag:s15], $0x2C00  }
0x9c: {  	[sflag:s15] =	ssyncset.done $0x0  }
0x9d: {  	[sflag:s15] =	ssyncadd.s32 $0xFFFFD400  }
0x9e: {  	_ =	swait.ge [sflag:s15], $0x2C00  }
0x9f: {  	[sflag:s15] =	ssyncset.done $0x0  }
0xa0: {  	[sflag:s15] =	ssyncadd.s32 $0xFFFFD400  }
0xa1: {  	[spmem:s2] =	stream.indirect.scatter.add.f32 [tilespmem:s3], [sflag:$0x8], $0x80, s12, s24, $0xb8;
	[tilespmem:$0x1F000] =	vst v63  }
0xa2: {  	_ = 	snop  }
0xa3: {  	[spmem:s2] =	stream.indirect.scatter.add.f32 [tilespmem:s5], [sflag:$0x8], $0x80, s12, s24, $0xb8;
	[tilespmem:$0x1F000] =	vst v63  }
0xa4: {  	s21 =	sadd.s32 $0x42, s10  }
0xa5: {  	[tilespmem:s30], [sflag:$0x3] =	stream.linear.gather [hbm4b:s21+s4], $0x58, $0x38;
	[tilespmem:$0x1F000] =	vst v63  }
0xa6: {  	s21 =	sadd.s32 $0x42, s7  }
0xa7: {  	[tilespmem:s31], [sflag:$0x3] =	stream.linear.gather [hbm4b:s21+s4], $0x58, $0x38;
	[tilespmem:$0x1F000] =	vst v63  }
0xa8: {  	_ =	swait.ge [sflag:s0], $0x58  }
0xa9: {  	[sflag:s0] =	ssyncset.done $0x0  }
0xaa: {  	[sflag:s0] =	ssyncadd.s32 $0xFFFFFFA8  }
0xab: {  	_ =	swait.ge [sflag:s0], $0x58  }
0xac: {  	[sflag:s0] =	ssyncset.done $0x0  }
0xad: {  	[sflag:s0] =	ssyncadd.s32 $0xFFFFFFA8  }
0xae: {  	_ =	swait.ge [sflag:s17], $0x2C00  }
0xaf: {  	[sflag:s17] =	ssyncset.done $0x0  }
0xb0: {  	[sflag:s17] =	ssyncadd.s32 $0xFFFFD400  }
0xb1: {  	_ =	swait.ge [sflag:s17], $0x2C00  }
0xb2: {  	[sflag:s17] =	ssyncset.done $0x0  }
0xb3: {  	[sflag:s17] =	ssyncadd.s32 $0xFFFFD400  }
0xb4: {  	[tilespmem:s3], [sflag:$0x6] =	stream.indirect.gather [hbm4b:s1+s24], $0x80, s28, s24, $0xb8;
	[tilespmem:$0x1F000] =	vst v63  }
0xb5: {  	_ = 	snop  }
0xb6: {  	[tilespmem:s5], [sflag:$0x6] =	stream.linear.gather [hbm4b:s20+s4], $0x2C00, $0x38;
	[tilespmem:$0x1F000] =	vst v63  }
0xb7: {  	_ =	swait.ge [sflag:s6], $0x2C00  }
0xb8: {  	[sflag:s6] =	ssyncset.done $0x0  }
0xb9: {  	[sflag:s6] =	ssyncadd.s32 $0xFFFFD400  }
0xba: {  	_ =	swait.ge [sflag:s6], $0x2C00  }
0xbb: {  	[sflag:s6] =	ssyncset.done $0x0;
	s21 =	rddreg [dreg:$0x4]  }
0xbc: {  	[sflag:s6] =	ssyncadd.s32 $0xFFFFD400;
	p0 =	sne.s32 s21, $0x2C  }
0xbd: {  	[spmem:s2] =	stream.indirect.scatter.add.f32 [tilespmem:s25], [sflag:$0x7], $0x80, s22, s24, $0xb8;
	[tilespmem:$0x1F000] =	vst v63  }
.Ltmp0:
0xbe: {  	_ = 	snop;
	(pc) =	sbr.rel @!p0 .LBB2_3-.Ltmp0, $4  }
0xbf: {  	[spmem:s2] =	stream.indirect.scatter.add.f32 [tilespmem:s26], [sflag:$0x7], $0x80, s22, s24, $0xb8;
	[tilespmem:$0x1F000] =	vst v63  }
0xc0: {  	s10 =	sadd.s32 $0x4D, s10  }
0xc1: {  	[tilespmem:s11], [sflag:$0x4] =	stream.linear.gather [hbm4b:s10+s4], $0x58, $0x38;
	[tilespmem:$0x1F000] =	vst v63  }
0xc2: {  	s19 =	simm.s32 $0x2C;
	s10 =	sadd.s32 $0x4D, s7;
	s7 =	sadd.s32 $0x1600, s20  }
.LBB2_2:
0xc3: {  	[tilespmem:s12], [sflag:$0x4] =	stream.linear.gather [hbm4b:s10+s4], $0x58, $0x38;
	[tilespmem:$0x1F000] =	vst v63  }
0xc4: {  	_ =	swait.ge [sflag:s13], $0x58  }
0xc5: {  	[sflag:s13] =	ssyncset.done $0x0  }
0xc6: {  	[sflag:s13] =	ssyncadd.s32 $0xFFFFFFA8  }
0xc7: {  	_ =	swait.ge [sflag:s13], $0x58  }
0xc8: {  	[sflag:s13] =	ssyncset.done $0x0  }
0xc9: {  	[sflag:s13] =	ssyncadd.s32 $0xFFFFFFA8  }
0xca: {  	_ =	swait.ge [sflag:s14], $0x2C00  }
0xcb: {  	[sflag:s14] =	ssyncset.done $0x0  }
0xcc: {  	[sflag:s14] =	ssyncadd.s32 $0xFFFFD400  }
0xcd: {  	_ =	swait.ge [sflag:s14], $0x2C00  }
0xce: {  	[sflag:s14] =	ssyncset.done $0x0  }
0xcf: {  	[sflag:s14] =	ssyncadd.s32 $0xFFFFD400  }
0xd0: {  	[tilespmem:s25], [sflag:$0x5] =	stream.indirect.gather [hbm4b:s1+s24], $0x80, s30, s24, $0xb8;
	[tilespmem:$0x1F000] =	vst v63  }
0xd1: {  	s21 =	sadd.s32 $0xFFFFEF80, s7  }
0xd2: {  	[tilespmem:s26], [sflag:$0x5] =	stream.linear.gather [hbm4b:s21+s4], $0x2C00, $0x38;
	[tilespmem:$0x1F000] =	vst v63  }
0xd3: {  	_ =	swait.ge [sflag:s15], $0x2C00  }
0xd4: {  	[sflag:s15] =	ssyncset.done $0x0  }
0xd5: {  	[sflag:s15] =	ssyncadd.s32 $0xFFFFD400  }
0xd6: {  	_ =	swait.ge [sflag:s15], $0x2C00  }
0xd7: {  	[sflag:s15] =	ssyncset.done $0x0  }
0xd8: {  	s10 =	smov.u32 s19;
	[sflag:s15] =	ssyncadd.s32 $0xFFFFD400  }
0xd9: {  	[spmem:s2] =	stream.indirect.scatter.add.f32 [tilespmem:s3], [sflag:$0x8], $0x80, s29, s24, $0xb8;
	[tilespmem:$0x1F000] =	vst v63  }
0xda: {  	s21 =	sadd.s32 s10, s8  }
0xdb: {  	[spmem:s2] =	stream.indirect.scatter.add.f32 [tilespmem:s5], [sflag:$0x8], $0x80, s29, s24, $0xb8;
	[tilespmem:$0x1F000] =	vst v63  }
0xdc: {  	s10 =	sadd.s32 s10, s9;
	s20 =	sadd.s32 $0x2C, s21  }
0xdd: {  	[tilespmem:s4], [sflag:$0x1] =	stream.linear.gather [hbm4b:s20+s4], $0x58, $0x38;
	[tilespmem:$0x1F000] =	vst v63  }
0xde: {  	s20 =	sadd.s32 $0x2C, s10  }
0xdf: {  	[tilespmem:s22], [sflag:$0x1] =	stream.linear.gather [hbm4b:s20+s4], $0x58, $0x38;
	[tilespmem:$0x1F000] =	vst v63  }
0xe0: {  	_ =	swait.ge [sflag:s16], $0x58  }
0xe1: {  	[sflag:s16] =	ssyncset.done $0x0  }
0xe2: {  	[sflag:s16] =	ssyncadd.s32 $0xFFFFFFA8  }
0xe3: {  	_ =	swait.ge [sflag:s16], $0x58  }
0xe4: {  	[sflag:s16] =	ssyncset.done $0x0  }
0xe5: {  	[sflag:s16] =	ssyncadd.s32 $0xFFFFFFA8  }
0xe6: {  	_ =	swait.ge [sflag:s17], $0x2C00  }
0xe7: {  	[sflag:s17] =	ssyncset.done $0x0  }
0xe8: {  	[sflag:s17] =	ssyncadd.s32 $0xFFFFD400  }
0xe9: {  	_ =	swait.ge [sflag:s17], $0x2C00  }
0xea: {  	[sflag:s17] =	ssyncset.done $0x0  }
0xeb: {  	[sflag:s17] =	ssyncadd.s32 $0xFFFFD400  }
0xec: {  	[tilespmem:s3], [sflag:$0x6] =	stream.indirect.gather [hbm4b:s1+s24], $0x80, s11, s24, $0xb8;
	[tilespmem:$0x1F000] =	vst v63  }
0xed: {  	s20 =	sadd.s32 $0xFFFFF500, s7  }
0xee: {  	[tilespmem:s5], [sflag:$0x6] =	stream.linear.gather [hbm4b:s20+s4], $0x2C00, $0x38;
	[tilespmem:$0x1F000] =	vst v63  }
0xef: {  	_ =	swait.ge [sflag:s6], $0x2C00  }
0xf0: {  	[sflag:s6] =	ssyncset.done $0x0  }
0xf1: {  	[sflag:s6] =	ssyncadd.s32 $0xFFFFD400  }
0xf2: {  	_ =	swait.ge [sflag:s6], $0x2C00  }
0xf3: {  	[sflag:s6] =	ssyncset.done $0x0  }
0xf4: {  	[sflag:s6] =	ssyncadd.s32 $0xFFFFD400  }
0xf5: {  	[spmem:s2] =	stream.indirect.scatter.add.f32 [tilespmem:s25], [sflag:$0x7], $0x80, s31, s24, $0xb8;
	[tilespmem:$0x1F000] =	vst v63  }
0xf6: {  	_ = 	snop  }
0xf7: {  	[spmem:s2] =	stream.indirect.scatter.add.f32 [tilespmem:s26], [sflag:$0x7], $0x80, s31, s24, $0xb8;
	[tilespmem:$0x1F000] =	vst v63  }
0xf8: {  	s20 =	sadd.s32 $0x37, s21  }
0xf9: {  	[tilespmem:s28], [sflag:$0x2] =	stream.linear.gather [hbm4b:s20+s4], $0x58, $0x38;
	[tilespmem:$0x1F000] =	vst v63  }
0xfa: {  	s20 =	sadd.s32 $0x37, s10  }
0xfb: {  	[tilespmem:s29], [sflag:$0x2] =	stream.linear.gather [hbm4b:s20+s4], $0x58, $0x38;
	[tilespmem:$0x1F000] =	vst v63  }
0xfc: {  	_ =	swait.ge [sflag:s23], $0x58  }
0xfd: {  	[sflag:s23] =	ssyncset.done $0x0  }
0xfe: {  	[sflag:s23] =	ssyncadd.s32 $0xFFFFFFA8  }
0xff: {  	_ =	swait.ge [sflag:s23], $0x58  }
0x100: {  	[sflag:s23] =	ssyncset.done $0x0  }
0x101: {  	[sflag:s23] =	ssyncadd.s32 $0xFFFFFFA8  }
0x102: {  	_ =	swait.ge [sflag:s14], $0x2C00  }
0x103: {  	[sflag:s14] =	ssyncset.done $0x0  }
0x104: {  	[sflag:s14] =	ssyncadd.s32 $0xFFFFD400  }
0x105: {  	_ =	swait.ge [sflag:s14], $0x2C00  }
0x106: {  	[sflag:s14] =	ssyncset.done $0x0  }
0x107: {  	[sflag:s14] =	ssyncadd.s32 $0xFFFFD400  }
0x108: {  	[tilespmem:s25], [sflag:$0x5] =	stream.indirect.gather [hbm4b:s1+s24], $0x80, s4, s24, $0xb8;
	[tilespmem:$0x1F000] =	vst v63  }
0x109: {  	s20 =	sadd.s32 $0xFFFFFA80, s7  }
0x10a: {  	[tilespmem:s26], [sflag:$0x5] =	stream.linear.gather [hbm4b:s20+s4], $0x2C00, $0x38;
	[tilespmem:$0x1F000] =	vst v63  }
0x10b: {  	_ =	swait.ge [sflag:s15], $0x2C00  }
0x10c: {  	[sflag:s15] =	ssyncset.done $0x0  }
0x10d: {  	[sflag:s15] =	ssyncadd.s32 $0xFFFFD400  }
0x10e: {  	_ =	swait.ge [sflag:s15], $0x2C00  }
0x10f: {  	[sflag:s15] =	ssyncset.done $0x0  }
0x110: {  	[sflag:s15] =	ssyncadd.s32 $0xFFFFD400  }
0x111: {  	[spmem:s2] =	stream.indirect.scatter.add.f32 [tilespmem:s3], [sflag:$0x8], $0x80, s12, s24, $0xb8;
	[tilespmem:$0x1F000] =	vst v63  }
0x112: {  	_ = 	snop  }
0x113: {  	[spmem:s2] =	stream.indirect.scatter.add.f32 [tilespmem:s5], [sflag:$0x8], $0x80, s12, s24, $0xb8;
	[tilespmem:$0x1F000] =	vst v63  }
0x114: {  	s20 =	sadd.s32 $0x42, s21  }
0x115: {  	[tilespmem:s30], [sflag:$0x3] =	stream.linear.gather [hbm4b:s20+s4], $0x58, $0x38;
	[tilespmem:$0x1F000] =	vst v63  }
0x116: {  	s20 =	sadd.s32 $0x42, s10  }
0x117: {  	[tilespmem:s31], [sflag:$0x3] =	stream.linear.gather [hbm4b:s20+s4], $0x58, $0x38;
	[tilespmem:$0x1F000] =	vst v63  }
0x118: {  	_ =	swait.ge [sflag:s0], $0x58  }
0x119: {  	[sflag:s0] =	ssyncset.done $0x0  }
0x11a: {  	[sflag:s0] =	ssyncadd.s32 $0xFFFFFFA8  }
0x11b: {  	_ =	swait.ge [sflag:s0], $0x58  }
0x11c: {  	[sflag:s0] =	ssyncset.done $0x0  }
0x11d: {  	[sflag:s0] =	ssyncadd.s32 $0xFFFFFFA8  }
0x11e: {  	_ =	swait.ge [sflag:s17], $0x2C00  }
0x11f: {  	[sflag:s17] =	ssyncset.done $0x0  }
0x120: {  	[sflag:s17] =	ssyncadd.s32 $0xFFFFD400  }
0x121: {  	_ =	swait.ge [sflag:s17], $0x2C00  }
0x122: {  	[sflag:s17] =	ssyncset.done $0x0  }
0x123: {  	[sflag:s17] =	ssyncadd.s32 $0xFFFFD400  }
0x124: {  	[tilespmem:s3], [sflag:$0x6] =	stream.indirect.gather [hbm4b:s1+s24], $0x80, s28, s24, $0xb8;
	[tilespmem:$0x1F000] =	vst v63  }
0x125: {  	_ = 	snop  }
0x126: {  	[tilespmem:s5], [sflag:$0x6] =	stream.linear.gather [hbm4b:s7+s4], $0x2C00, $0x38;
	[tilespmem:$0x1F000] =	vst v63  }
0x127: {  	_ =	swait.ge [sflag:s6], $0x2C00  }
0x128: {  	[sflag:s6] =	ssyncset.done $0x0  }
0x129: {  	[sflag:s6] =	ssyncadd.s32 $0xFFFFD400  }
0x12a: {  	_ =	swait.ge [sflag:s6], $0x2C00  }
0x12b: {  	s19 =	sadd.s32 $0x2C, s19;
	[sflag:s6] =	ssyncset.done $0x0;
	s20 =	rddreg [dreg:$0x4]  }
0x12c: {  	[sflag:s6] =	ssyncadd.s32 $0xFFFFD400;
	p0 =	sne.s32 s20, s19  }
0x12d: {  	[spmem:s2] =	stream.indirect.scatter.add.f32 [tilespmem:s25], [sflag:$0x7], $0x80, s22, s24, $0xb8;
	[tilespmem:$0x1F000] =	vst v63  }
.Ltmp1:
0x12e: {  	_ = 	snop;
	(pc) =	sbr.rel @p0 .LBB2_2-.Ltmp1, $4  }
0x12f: {  	_ = 	snop  }
0x130: {  	[spmem:s2] =	stream.indirect.scatter.add.f32 [tilespmem:s26], [sflag:$0x7], $0x80, s22, s24, $0xb8;
	[tilespmem:$0x1F000] =	vst v63  }
0x131: {  	s21 =	sadd.s32 $0x4D, s21;
	s10 =	sadd.s32 $0x4D, s10;
	s7 =	sadd.s32 $0x1600, s7  }
0x132: {  	[tilespmem:s11], [sflag:$0x4] =	stream.linear.gather [hbm4b:s21+s4], $0x58, $0x38;
	[tilespmem:$0x1F000] =	vst v63  }
.LBB2_3:
0x133: {  	[tilespmem:s12], [sflag:$0x4] =	stream.linear.gather [hbm4b:s10+s4], $0x58, $0x38;
	[tilespmem:$0x1F000] =	vst v63  }
0x134: {  	_ =	swait.ge [sflag:s14], $0x2C00  }
0x135: {  	[sflag:s14] =	ssyncset.done $0x0  }
0x136: {  	[sflag:s14] =	ssyncadd.s32 $0xFFFFD400  }
0x137: {  	_ =	swait.ge [sflag:s14], $0x2C00  }
0x138: {  	[sflag:s14] =	ssyncset.done $0x0  }
0x139: {  	[sflag:s14] =	ssyncadd.s32 $0xFFFFD400  }
0x13a: {  	_ =	swait.ge [sflag:s15], $0x2C00  }
0x13b: {  	[sflag:s15] =	ssyncset.done $0x0  }
0x13c: {  	[sflag:s15] =	ssyncadd.s32 $0xFFFFD400  }
0x13d: {  	_ =	swait.ge [sflag:s15], $0x2C00  }
0x13e: {  	[sflag:s15] =	ssyncset.done $0x0  }
0x13f: {  	[sflag:s15] =	ssyncadd.s32 $0xFFFFD400  }
0x140: {  	_ =	swait.ge [sflag:s13], $0x58  }
0x141: {  	[sflag:s13] =	ssyncset.done $0x0  }
0x142: {  	[sflag:s13] =	ssyncadd.s32 $0xFFFFFFA8  }
0x143: {  	_ =	swait.ge [sflag:s13], $0x58  }
0x144: {  	[sflag:s13] =	ssyncset.done $0x0  }
0x145: {  	[sflag:s13] =	ssyncadd.s32 $0xFFFFFFA8  }
0x146: {  	_ =	swait.ge [sflag:s16], $0x58  }
0x147: {  	[sflag:s16] =	ssyncset.done $0x0  }
0x148: {  	[sflag:s16] =	ssyncadd.s32 $0xFFFFFFA8  }
0x149: {  	_ =	swait.ge [sflag:s16], $0x58  }
0x14a: {  	[sflag:s16] =	ssyncset.done $0x0  }
0x14b: {  	[sflag:s16] =	ssyncadd.s32 $0xFFFFFFA8  }
0x14c: {  	[bflag:$0x0] =	sbarrier.arrive $0xFFFF  }
0x14d: {  	s19 =	rddreg [dreg:$0x7]  }
0x14e: {  	s7 =	rddreg [dreg:$0x10]  }
0x14f: {  	s10 =	simm.s32 $0x9;
	s20 =	rddreg [dreg:$0x13]  }
0x150: {  	[hbm:s7], [sflag:s19] =	dma.local [spmem:s20], $0x2780  }
0x151: {  	_ =	swait.ge [sflag:s10], $0x2780  }
0x152: {  	s18 =	sadd.s32 $0x1, s18;
	s21 =	rddreg [dreg:$0x11]  }
0x153: {  	p0 =	sne.s32 s18, s21  }
.Ltmp2:
0x154: {  	_ = 	snop;
	(pc) =	sbr.rel @p0 .LBB2_1-.Ltmp2, $3  }
0x155: {  	_ =	sdelay $0x1  }
0x156: {  	[sflag:s10] =	ssyncset.done $0x0  }
0x157: {  	[sflag:s10] =	ssyncadd.s32 $0xFFFFD880  }
0x158: {  	_ =	sfence.sel $0x180000  }
0x159: {  	[bflag:$0x0] =	sbarrier.arrive $0xFFFF  }
0x15a: {  	_ =	strace $0x90000047  }
0x15b: {  	s0 =	stileid.u32;
	[bflag:$0x2] =	sbarrier.arrive $0xFFFF  }
0x15c: {  	p0 =	sne.s32 s0, $0x0;
	s0 =	rddreg [dreg:$0x3]  }
0x15d: {  	s0 =	sadd.s32 @!p0 $0x100000, s0  }
0x15e: {  	[sflag:s0] =	ssyncadd.tile.s32 @!p0 $0x1;
	_ =	shalt  }
.Lfunc_end2:
_tile_overlayer_lowered:
.L_overlay_start_2:
0x15f: {  	(tag) =	ssettag $0x2  }
0x160: {  	s0 =	rddreg [dreg:$0x0];
	s2 =	stileid.u32  }
0x161: {  	s1 =	rddreg [dreg:$0x1];
	p0 =	sne.s32 s2, $0x0  }
0x162: {  	s3 =	rddreg [dreg:$0x2];
	[bflag:$0x3] =	sbarrier.arrive $0xFFFF;
	s2 =	simm.s32 @!p0 $0x1C09  }
0x163: {  	[timem:s3], [sflag:s2] =	dma.local @!p0 [hbm:s0], s1  }
0x164: {  	s0 =	simm.s32 @!p0 $0x9  }
0x165: {  	_ =	swait.ge @!p0 [sflag:s0], s1  }
0x166: {  	s1 =	ssub.s32 @!p0 $0x0, s1;
	[sflag:s0] =	ssyncset.done @!p0 $0x0  }
0x167: {  	[sflag:s0] =	ssyncadd.s32 @!p0 s1  }
0x168: {  	[bflag:$0x3] =	sbarrier.arrive $0xFFFF  }
0x169: {  	_ =	shalt  }

</sc_bundles>
